<compile_context>
chip_gen: v7x
topology: tpu7x:2x2x1
jax: 0.10.2.dev20260603
libtpu: 0.0.44.dev20260713+nightly
codegen_flags: <defaults>
</compile_context>

<pallas_src>
import functools

import jax
import jax.numpy as jnp
from jax import lax
from jax.experimental import pallas as pl
from jax.experimental.pallas import tpu as pltpu
from jax.experimental.pallas import tpu_sc as plsc

N = 10000
D = 128
E = 320000
NC = 2
NS = 16
NW = NC * NS
EPW = E // NW
CHUNK = 80
NCHUNK = EPW // CHUNK
NP = 10112
ROWS_PER_TILE = NP // NS


def _sc_agg_body(x_hbm, src_hbm, dst_hbm, zeros_hbm, out_hbm,
                 src_v, dst_v, rows_a, rows_b, agg_sh, gsem_a, gsem_b):
    cid = lax.axis_index("c")
    sid = lax.axis_index("s")
    wid = sid * NC + cid

    pltpu.sync_copy(src_hbm.at[pl.ds(wid * EPW, EPW)], src_v)
    pltpu.sync_copy(dst_hbm.at[wid], dst_v)

    r0 = sid * ROWS_PER_TILE
    pltpu.sync_copy(zeros_hbm.at[pl.ds(r0, ROWS_PER_TILE)],
                    agg_sh.at[pl.ds(r0, ROWS_PER_TILE)])
    plsc.subcore_barrier()

    pltpu.async_copy(x_hbm.at[src_v.at[pl.ds(0, CHUNK)]], rows_a, gsem_a)

    def body(j, carry):
        i0 = 2 * j
        pltpu.make_async_copy(x_hbm.at[src_v.at[pl.ds(i0 * CHUNK, CHUNK)]], rows_a, gsem_a).wait()
        pltpu.async_copy(x_hbm.at[src_v.at[pl.ds((i0 + 1) * CHUNK, CHUNK)]], rows_b, gsem_b)
        pltpu.sync_copy(rows_a, agg_sh.at[dst_v.at[i0]], add=True)
        pltpu.make_async_copy(x_hbm.at[src_v.at[pl.ds((i0 + 1) * CHUNK, CHUNK)]], rows_b, gsem_b).wait()
        pltpu.async_copy(x_hbm.at[src_v.at[pl.ds((i0 + 2) * CHUNK, CHUNK)]], rows_a, gsem_a)
        pltpu.sync_copy(rows_b, agg_sh.at[dst_v.at[i0 + 1]], add=True)
        return carry

    lax.fori_loop(0, (NCHUNK - 1) // 2, body, 0)
    last = NCHUNK - 1
    pltpu.make_async_copy(x_hbm.at[src_v.at[pl.ds(last * CHUNK, CHUNK)]], rows_a, gsem_a).wait()
    pltpu.sync_copy(rows_a, agg_sh.at[dst_v.at[last]], add=True)

    plsc.subcore_barrier()
    pltpu.sync_copy(agg_sh.at[pl.ds(r0, ROWS_PER_TILE)],
                    out_hbm.at[cid, pl.ds(r0, ROWS_PER_TILE)])


def _sc_agg(x, src3, dst3, zeros):
    mesh = plsc.VectorSubcoreMesh(core_axis_name="c", subcore_axis_name="s")
    k = pl.kernel(
        _sc_agg_body,
        out_type=jax.ShapeDtypeStruct((NC, NP, D), jnp.float32),
        mesh=mesh,
        scratch_types=[
            pltpu.VMEM((EPW,), jnp.int32),
            pltpu.VMEM((NCHUNK, CHUNK), jnp.int32),
            pltpu.VMEM((CHUNK, D), jnp.float32),
            pltpu.VMEM((CHUNK, D), jnp.float32),
            pltpu.VMEM_SHARED((NP, D), jnp.float32),
            pltpu.SemaphoreType.DMA,
            pltpu.SemaphoreType.DMA,
        ],
    )
    return k(x, src3, dst3, zeros)


def _dense_body(relu, x_ref, p_ref, wr_ref, wn_ref, b_ref, o_ref):
    agg = p_ref[0] + p_ref[1]
    dn = (((1,), (1,)), ((), ()))
    acc = lax.dot_general(x_ref[...], wr_ref[...], dn,
                          preferred_element_type=jnp.float32)
    acc += lax.dot_general(agg, wn_ref[...], dn,
                           preferred_element_type=jnp.float32)
    acc += b_ref[...]
    if relu:
        acc = jnp.maximum(acc, 0.0)
    o_ref[...] = acc


def _dense_layer(x, parts, w_root, w_nbr, b, relu):
    R = 1000
    grid = (N // R,)
    b2 = b.reshape(1, D)
    return pl.pallas_call(
        functools.partial(_dense_body, relu),
        grid=grid,
        in_specs=[
            pl.BlockSpec((R, D), lambda i: (i, 0)),
            pl.BlockSpec((NC, R, D), lambda i: (0, i, 0)),
            pl.BlockSpec((D, D), lambda i: (0, 0)),
            pl.BlockSpec((D, D), lambda i: (0, 0)),
            pl.BlockSpec((1, D), lambda i: (0, 0)),
        ],
        out_specs=pl.BlockSpec((R, D), lambda i: (i, 0)),
        out_shape=jax.ShapeDtypeStruct((N, D), jnp.float32),
    )(x, parts, w_root, w_nbr, b2)


def kernel(x, edge_index, W1_root, W1_nbr, b1, W2_root, W2_nbr, b2):
    src_flat = edge_index[0]
    dst3 = edge_index[1].reshape(NW, NCHUNK, CHUNK)
    zeros = jnp.zeros((NP, D), jnp.float32)

    p1 = _sc_agg(x, src_flat, dst3, zeros)
    h = _dense_layer(x, p1, W1_root, W1_nbr, b1, relu=True)
    p2 = _sc_agg(h, src_flat, dst3, zeros)
    out = _dense_layer(h, p2, W2_root, W2_nbr, b2, relu=False)
    return out

# --- scband reference (transcript-rebuilt; emitter-appended) ---
"""Pipeline reference for scband-gnn-18545668784680 (READ-ONLY COPY).

The authoritative reference and input builder live on the scoring server;
editing this copy changes nothing except your own understanding.
"""

import jax, jax.numpy as jnp
import numpy as np

N_NODES = 10000
N_EDGES = 320000
D_IN = 128
D_HID = 128
D_OUT = 128


def setup_inputs(seed: int = 0) -> dict:
    key = jax.random.key(seed)
    ks = jax.random.split(key, 8)
    x = jax.random.normal(ks[0], (N_NODES, D_IN), dtype=jnp.float32)
    edge_index = jax.random.randint(ks[1], (2, N_EDGES), 0, N_NODES, dtype=jnp.int32)
    s1 = 1.0 / np.sqrt(D_IN)
    s2 = 1.0 / np.sqrt(D_HID)
    W1_root = jax.random.uniform(ks[2], (D_HID, D_IN), jnp.float32, -s1, s1)
    W1_nbr = jax.random.uniform(ks[3], (D_HID, D_IN), jnp.float32, -s1, s1)
    b1 = jnp.zeros((D_HID,), jnp.float32)
    W2_root = jax.random.uniform(ks[4], (D_OUT, D_HID), jnp.float32, -s2, s2)
    W2_nbr = jax.random.uniform(ks[5], (D_OUT, D_HID), jnp.float32, -s2, s2)
    b2 = jnp.zeros((D_OUT,), jnp.float32)
    return {"x": x, "edge_index": edge_index, "W1_root": W1_root, "W1_nbr": W1_nbr, "b1": b1, "W2_root": W2_root, "W2_nbr": W2_nbr, "b2": b2}


def _graph_conv(x, src, dst, W_root, W_nbr, b):
    # PyG GraphConv (aggr='add'): x_i' = W_root x_i + W_nbr * sum_{j in N(i)} x_j + b
    msgs = jnp.take(x, src, axis=0)                       # gather source node features per edge
    agg = jax.ops.segment_sum(msgs, dst, num_segments=x.shape[0])  # scatter-add to destination nodes
    return x @ W_root.T + agg @ W_nbr.T + b


def reference(x, edge_index, W1_root, W1_nbr, b1, W2_root, W2_nbr, b2):
    src = edge_index[0]
    dst = edge_index[1]
    h = _graph_conv(x, src, dst, W1_root, W1_nbr, b1)
    h = jax.nn.relu(h)
    out = _graph_conv(h, src, dst, W2_root, W2_nbr, b2)
    return out

if __name__ == "__main__":
    import jax
    _d = setup_inputs()
    print(jax.jit(kernel)(*tuple(_d.values())))

</pallas_src>

<mosaic_0001>
#map = affine_map<(d0, d1) -> (0, 0)>
#map1 = affine_map<(d0, d1) -> (0)>
#map2 = affine_map<(d0, d1) -> (0, 0, 0)>
module attributes {stable_mosaic.version = 14 : i64} {
  func.func @_sc_agg_body(%arg0: i32, %arg1: i32, %arg2: memref<10000x128xf32, #tpu.memory_space<hbm>>, %arg3: memref<320000xi32, #tpu.memory_space<hbm>>, %arg4: memref<32x125x80xi32, #tpu.memory_space<hbm>>, %arg5: memref<10112x128xf32, #tpu.memory_space<hbm>>, %arg6: memref<2x10112x128xf32, #tpu.memory_space<hbm>>, %arg7: memref<10000xi32, #tpu.memory_space<vmem>>, %arg8: memref<125x80xi32, #tpu.memory_space<vmem>>, %arg9: memref<80x128xf32, #tpu.memory_space<vmem>>, %arg10: memref<80x128xf32, #tpu.memory_space<vmem>>, %arg11: memref<10112x128xf32, #tpu.memory_space<vmem_shared>>, %arg12: memref<!tpu.dma_semaphore, #tpu.memory_space<semaphore_mem>>, %arg13: memref<!tpu.dma_semaphore, #tpu.memory_space<semaphore_mem>>) attributes {dimension_semantics = [#tpu.dimension_semantics<core_parallel>, #tpu.dimension_semantics<subcore_parallel>], iteration_bounds = array<i64: 2, 16>, scalar_prefetch = 0 : i64, scratch_operands = 7 : i64, tpu.core_type = #tpu.core_type<sc_vector_subcore>, window_params = [{transform_indices = #map}, {transform_indices = #map1}, {transform_indices = #map2}, {transform_indices = #map}, {transform_indices = #map2}]} {
    %mul3A = arith.constant 2 : i32
    %mul3A_0 = arith.muli %arg1, %mul3A : i32
    %add3A = arith.addi %mul3A_0, %arg0 : i32
    %mul3A_1 = arith.constant 10000 : i32
    %mul3A_2 = arith.muli %add3A, %mul3A_1 : i32
    "tpu.region"() ({
      %run_scoped3A_19 = tpu.sem_alloc : memref<!tpu.dma_semaphore, #tpu.memory_space<semaphore_mem>>
      %dma_start3A_20 = tpu.memref_slice %arg3[%mul3A_2] : memref<320000xi32, #tpu.memory_space<hbm>> -> memref<10000xi32, #tpu.memory_space<hbm>>
      %dma_start3A_21 = tpu.memref_slice %arg3[%mul3A_2] : memref<320000xi32, #tpu.memory_space<hbm>> -> memref<10000xi32, #tpu.memory_space<hbm>>
      tpu.enqueue_dma source(%dma_start3A_21 : memref<10000xi32, #tpu.memory_space<hbm>>) target(%arg7 : memref<10000xi32, #tpu.memory_space<vmem>>) target_semaphore(%run_scoped3A_19 : memref<!tpu.dma_semaphore, #tpu.memory_space<semaphore_mem>>)
      %dma_wait3A_22 = tpu.memref_slice %arg3[%mul3A_2] : memref<320000xi32, #tpu.memory_space<hbm>> -> memref<10000xi32, #tpu.memory_space<hbm>>
      %dma_wait3A_23 = tpu.memref_slice %arg3[%mul3A_2] : memref<320000xi32, #tpu.memory_space<hbm>> -> memref<10000xi32, #tpu.memory_space<hbm>>
      tpu.wait_dma2 semaphore(%run_scoped3A_19 : memref<!tpu.dma_semaphore, #tpu.memory_space<semaphore_mem>>) src(%dma_wait3A_23 : memref<10000xi32, #tpu.memory_space<hbm>>) dst(%arg7 : memref<10000xi32, #tpu.memory_space<vmem>>)
      tpu.yield
    }) : () -> ()
    "tpu.region"() ({
      %run_scoped3A_19 = tpu.sem_alloc : memref<!tpu.dma_semaphore, #tpu.memory_space<semaphore_mem>>
      %dma_start3A_20 = arith.constant 0 : i32
      %dma_start3A_21 = arith.constant 0 : i32
      %dma_start3A_22 = tpu.memref_slice %arg4[%add3A, %dma_start3A_20, %dma_start3A_21] : memref<32x125x80xi32, #tpu.memory_space<hbm>> -> memref<1x125x80xi32, #tpu.memory_space<hbm>>
      %dma_start3A_23 = tpu.memref_squeeze %dma_start3A_22 : memref<1x125x80xi32, #tpu.memory_space<hbm>> -> memref<125x80xi32, #tpu.memory_space<hbm>>
      %dma_start3A_24 = arith.constant 0 : i32
      %dma_start3A_25 = arith.constant 0 : i32
      %dma_start3A_26 = tpu.memref_slice %arg4[%add3A, %dma_start3A_24, %dma_start3A_25] : memref<32x125x80xi32, #tpu.memory_space<hbm>> -> memref<1x125x80xi32, #tpu.memory_space<hbm>>
      %dma_start3A_27 = tpu.memref_squeeze %dma_start3A_26 : memref<1x125x80xi32, #tpu.memory_space<hbm>> -> memref<125x80xi32, #tpu.memory_space<hbm>>
      tpu.enqueue_dma source(%dma_start3A_27 : memref<125x80xi32, #tpu.memory_space<hbm>>) target(%arg8 : memref<125x80xi32, #tpu.memory_space<vmem>>) target_semaphore(%run_scoped3A_19 : memref<!tpu.dma_semaphore, #tpu.memory_space<semaphore_mem>>)
      %dma_wait3A_28 = arith.constant 0 : i32
      %dma_wait3A_29 = arith.constant 0 : i32
      %dma_wait3A_30 = tpu.memref_slice %arg4[%add3A, %dma_wait3A_28, %dma_wait3A_29] : memref<32x125x80xi32, #tpu.memory_space<hbm>> -> memref<1x125x80xi32, #tpu.memory_space<hbm>>
      %dma_wait3A_31 = tpu.memref_squeeze %dma_wait3A_30 : memref<1x125x80xi32, #tpu.memory_space<hbm>> -> memref<125x80xi32, #tpu.memory_space<hbm>>
      %dma_wait3A_32 = arith.constant 0 : i32
      %dma_wait3A_33 = arith.constant 0 : i32
      %dma_wait3A_34 = tpu.memref_slice %arg4[%add3A, %dma_wait3A_32, %dma_wait3A_33] : memref<32x125x80xi32, #tpu.memory_space<hbm>> -> memref<1x125x80xi32, #tpu.memory_space<hbm>>
      %dma_wait3A_35 = tpu.memref_squeeze %dma_wait3A_34 : memref<1x125x80xi32, #tpu.memory_space<hbm>> -> memref<125x80xi32, #tpu.memory_space<hbm>>
      tpu.wait_dma2 semaphore(%run_scoped3A_19 : memref<!tpu.dma_semaphore, #tpu.memory_space<semaphore_mem>>) src(%dma_wait3A_35 : memref<125x80xi32, #tpu.memory_space<hbm>>) dst(%arg8 : memref<125x80xi32, #tpu.memory_space<vmem>>)
      tpu.yield
    }) : () -> ()
    %mul3A_3 = arith.constant 632 : i32
    %mul3A_4 = arith.muli %arg1, %mul3A_3 : i32
    "tpu.region"() ({
      %run_scoped3A_19 = tpu.sem_alloc : memref<!tpu.dma_semaphore, #tpu.memory_space<semaphore_mem>>
      %dma_start3A_20 = arith.constant 0 : i32
      %dma_start3A_21 = tpu.memref_slice %arg11[%mul3A_4, %dma_start3A_20] : memref<10112x128xf32, #tpu.memory_space<vmem_shared>> -> memref<632x128xf32, #tpu.memory_space<vmem_shared>>
      %dma_start3A_22 = arith.constant 0 : i32
      %dma_start3A_23 = tpu.memref_slice %arg5[%mul3A_4, %dma_start3A_22] : memref<10112x128xf32, #tpu.memory_space<hbm>> -> memref<632x128xf32, #tpu.memory_space<hbm>>
      tpu.enqueue_dma source(%dma_start3A_23 : memref<632x128xf32, #tpu.memory_space<hbm>>) target(%dma_start3A_21 : memref<632x128xf32, #tpu.memory_space<vmem_shared>>) target_semaphore(%run_scoped3A_19 : memref<!tpu.dma_semaphore, #tpu.memory_space<semaphore_mem>>)
      %dma_wait3A_24 = arith.constant 0 : i32
      %dma_wait3A_25 = tpu.memref_slice %arg11[%mul3A_4, %dma_wait3A_24] : memref<10112x128xf32, #tpu.memory_space<vmem_shared>> -> memref<632x128xf32, #tpu.memory_space<vmem_shared>>
      %dma_wait3A_26 = arith.constant 0 : i32
      %dma_wait3A_27 = tpu.memref_slice %arg5[%mul3A_4, %dma_wait3A_26] : memref<10112x128xf32, #tpu.memory_space<hbm>> -> memref<632x128xf32, #tpu.memory_space<hbm>>
      tpu.wait_dma2 semaphore(%run_scoped3A_19 : memref<!tpu.dma_semaphore, #tpu.memory_space<semaphore_mem>>) src(%dma_wait3A_27 : memref<632x128xf32, #tpu.memory_space<hbm>>) dst(%dma_wait3A_25 : memref<632x128xf32, #tpu.memory_space<vmem_shared>>)
      tpu.yield
    }) : () -> ()
    %barrier3A = arith.constant 0 : index
    tpu.barrier barrier_id(%barrier3A)
    %dma_start3A = arith.constant 0 : i32
    %dma_start3A_5 = tpu.memref_slice %arg7[%dma_start3A] : memref<10000xi32, #tpu.memory_space<vmem>> -> memref<80xi32, #tpu.memory_space<vmem>>
    %dma_start3A_6 = arith.constant 0 : i32
    %dma_start3A_7 = arith.constant 0 : i32
    %dma_start3A_8 = tpu.memref_slice %arg2[%dma_start3A_6, %dma_start3A_7] : memref<10000x128xf32, #tpu.memory_space<hbm>> -> memref<10000x128xf32, #tpu.memory_space<hbm>>
    tpu.enqueue_indirect_dma source(%dma_start3A_8 : memref<10000x128xf32, #tpu.memory_space<hbm>>) target(%arg9 : memref<80x128xf32, #tpu.memory_space<vmem>>) offsets(%dma_start3A_5 : memref<80xi32, #tpu.memory_space<vmem>>) semaphore(%arg12 : memref<!tpu.dma_semaphore, #tpu.memory_space<semaphore_mem>>)
    %scan3A = arith.constant 0 : i32
    %scan3A_9 = arith.constant 0 : i32
    %scan3A_10 = arith.constant 62 : i32
    %scan3A_11 = arith.addi %scan3A_9, %scan3A_10 : i32
    %scan3A_12 = arith.constant 1 : i32
    scf.for %scan3A_19 = %scan3A_9 to %scan3A_11 step %scan3A_12  : i32 {
      %mul3A_20 = arith.constant 2 : i32
      %mul3A_21 = arith.muli %mul3A_20, %scan3A_19 : i32
      %mul3A_22 = arith.constant 80 : i32
      %mul3A_23 = arith.muli %mul3A_21, %mul3A_22 : i32
      %dma_wait3A_24 = tpu.memref_slice %arg7[%mul3A_23] : memref<10000xi32, #tpu.memory_space<vmem>> -> memref<80xi32, #tpu.memory_space<vmem>>
      %dma_wait3A_25 = arith.constant 0 : i32
      %dma_wait3A_26 = arith.constant 0 : i32
      %dma_wait3A_27 = tpu.memref_slice %arg2[%dma_wait3A_25, %dma_wait3A_26] : memref<10000x128xf32, #tpu.memory_space<hbm>> -> memref<10000x128xf32, #tpu.memory_space<hbm>>
      tpu.wait_indirect_dma semaphore(%arg12 : memref<!tpu.dma_semaphore, #tpu.memory_space<semaphore_mem>>) src(%dma_wait3A_27 : memref<10000x128xf32, #tpu.memory_space<hbm>>) dst(%arg9 : memref<80x128xf32, #tpu.memory_space<vmem>>)
      %add3A_28 = arith.constant 1 : i32
      %add3A_29 = arith.addi %mul3A_21, %add3A_28 : i32
      %mul3A_30 = arith.constant 80 : i32
      %mul3A_31 = arith.muli %add3A_29, %mul3A_30 : i32
      %dma_start3A_32 = tpu.memref_slice %arg7[%mul3A_31] : memref<10000xi32, #tpu.memory_space<vmem>> -> memref<80xi32, #tpu.memory_space<vmem>>
      %dma_start3A_33 = arith.constant 0 : i32
      %dma_start3A_34 = arith.constant 0 : i32
      %dma_start3A_35 = tpu.memref_slice %arg2[%dma_start3A_33, %dma_start3A_34] : memref<10000x128xf32, #tpu.memory_space<hbm>> -> memref<10000x128xf32, #tpu.memory_space<hbm>>
      tpu.enqueue_indirect_dma source(%dma_start3A_35 : memref<10000x128xf32, #tpu.memory_space<hbm>>) target(%arg10 : memref<80x128xf32, #tpu.memory_space<vmem>>) offsets(%dma_start3A_32 : memref<80xi32, #tpu.memory_space<vmem>>) semaphore(%arg13 : memref<!tpu.dma_semaphore, #tpu.memory_space<semaphore_mem>>)
      "tpu.region"() ({
        %run_scoped3A_54 = tpu.sem_alloc : memref<!tpu.dma_semaphore, #tpu.memory_space<semaphore_mem>>
        %dma_start3A_55 = arith.constant 0 : i32
        %dma_start3A_56 = tpu.memref_slice %arg8[%mul3A_21, %dma_start3A_55] : memref<125x80xi32, #tpu.memory_space<vmem>> -> memref<1x80xi32, #tpu.memory_space<vmem>>
        %dma_start3A_57 = tpu.memref_squeeze %dma_start3A_56 : memref<1x80xi32, #tpu.memory_space<vmem>> -> memref<80xi32, #tpu.memory_space<vmem>>
        %dma_start3A_58 = arith.constant 0 : i32
        %dma_start3A_59 = arith.constant 0 : i32
        %dma_start3A_60 = tpu.memref_slice %arg11[%dma_start3A_58, %dma_start3A_59] : memref<10112x128xf32, #tpu.memory_space<vmem_shared>> -> memref<10112x128xf32, #tpu.memory_space<vmem_shared>>
        tpu.enqueue_indirect_dma source(%arg9 : memref<80x128xf32, #tpu.memory_space<vmem>>) target(%dma_start3A_60 : memref<10112x128xf32, #tpu.memory_space<vmem_shared>>) offsets(%dma_start3A_57 : memref<80xi32, #tpu.memory_space<vmem>>) semaphore(%run_scoped3A_54 : memref<!tpu.dma_semaphore, #tpu.memory_space<semaphore_mem>>) {add = true}
        %dma_wait3A_61 = arith.constant 0 : i32
        %dma_wait3A_62 = tpu.memref_slice %arg8[%mul3A_21, %dma_wait3A_61] : memref<125x80xi32, #tpu.memory_space<vmem>> -> memref<1x80xi32, #tpu.memory_space<vmem>>
        %dma_wait3A_63 = tpu.memref_squeeze %dma_wait3A_62 : memref<1x80xi32, #tpu.memory_space<vmem>> -> memref<80xi32, #tpu.memory_space<vmem>>
        %dma_wait3A_64 = arith.constant 0 : i32
        %dma_wait3A_65 = arith.constant 0 : i32
        %dma_wait3A_66 = tpu.memref_slice %arg11[%dma_wait3A_64, %dma_wait3A_65] : memref<10112x128xf32, #tpu.memory_space<vmem_shared>> -> memref<10112x128xf32, #tpu.memory_space<vmem_shared>>
        tpu.wait_indirect_dma semaphore(%run_scoped3A_54 : memref<!tpu.dma_semaphore, #tpu.memory_space<semaphore_mem>>) src(%arg9 : memref<80x128xf32, #tpu.memory_space<vmem>>) dst(%dma_wait3A_66 : memref<10112x128xf32, #tpu.memory_space<vmem_shared>>)
        tpu.yield
      }) : () -> ()
      %add3A_36 = arith.constant 1 : i32
      %add3A_37 = arith.addi %mul3A_21, %add3A_36 : i32
      %mul3A_38 = arith.constant 80 : i32
      %mul3A_39 = arith.muli %add3A_37, %mul3A_38 : i32
      %dma_wait3A_40 = tpu.memref_slice %arg7[%mul3A_39] : memref<10000xi32, #tpu.memory_space<vmem>> -> memref<80xi32, #tpu.memory_space<vmem>>
      %dma_wait3A_41 = arith.constant 0 : i32
      %dma_wait3A_42 = arith.constant 0 : i32
      %dma_wait3A_43 = tpu.memref_slice %arg2[%dma_wait3A_41, %dma_wait3A_42] : memref<10000x128xf32, #tpu.memory_space<hbm>> -> memref<10000x128xf32, #tpu.memory_space<hbm>>
      tpu.wait_indirect_dma semaphore(%arg13 : memref<!tpu.dma_semaphore, #tpu.memory_space<semaphore_mem>>) src(%dma_wait3A_43 : memref<10000x128xf32, #tpu.memory_space<hbm>>) dst(%arg10 : memref<80x128xf32, #tpu.memory_space<vmem>>)
      %add3A_44 = arith.constant 2 : i32
      %add3A_45 = arith.addi %mul3A_21, %add3A_44 : i32
      %mul3A_46 = arith.constant 80 : i32
      %mul3A_47 = arith.muli %add3A_45, %mul3A_46 : i32
      %dma_start3A_48 = tpu.memref_slice %arg7[%mul3A_47] : memref<10000xi32, #tpu.memory_space<vmem>> -> memref<80xi32, #tpu.memory_space<vmem>>
      %dma_start3A_49 = arith.constant 0 : i32
      %dma_start3A_50 = arith.constant 0 : i32
      %dma_start3A_51 = tpu.memref_slice %arg2[%dma_start3A_49, %dma_start3A_50] : memref<10000x128xf32, #tpu.memory_space<hbm>> -> memref<10000x128xf32, #tpu.memory_space<hbm>>
      tpu.enqueue_indirect_dma source(%dma_start3A_51 : memref<10000x128xf32, #tpu.memory_space<hbm>>) target(%arg9 : memref<80x128xf32, #tpu.memory_space<vmem>>) offsets(%dma_start3A_48 : memref<80xi32, #tpu.memory_space<vmem>>) semaphore(%arg12 : memref<!tpu.dma_semaphore, #tpu.memory_space<semaphore_mem>>)
      %add3A_52 = arith.constant 1 : i32
      %add3A_53 = arith.addi %mul3A_21, %add3A_52 : i32
      "tpu.region"() ({
        %run_scoped3A_54 = tpu.sem_alloc : memref<!tpu.dma_semaphore, #tpu.memory_space<semaphore_mem>>
        %dma_start3A_55 = arith.constant 0 : i32
        %dma_start3A_56 = tpu.memref_slice %arg8[%add3A_53, %dma_start3A_55] : memref<125x80xi32, #tpu.memory_space<vmem>> -> memref<1x80xi32, #tpu.memory_space<vmem>>
        %dma_start3A_57 = tpu.memref_squeeze %dma_start3A_56 : memref<1x80xi32, #tpu.memory_space<vmem>> -> memref<80xi32, #tpu.memory_space<vmem>>
        %dma_start3A_58 = arith.constant 0 : i32
        %dma_start3A_59 = arith.constant 0 : i32
        %dma_start3A_60 = tpu.memref_slice %arg11[%dma_start3A_58, %dma_start3A_59] : memref<10112x128xf32, #tpu.memory_space<vmem_shared>> -> memref<10112x128xf32, #tpu.memory_space<vmem_shared>>
        tpu.enqueue_indirect_dma source(%arg10 : memref<80x128xf32, #tpu.memory_space<vmem>>) target(%dma_start3A_60 : memref<10112x128xf32, #tpu.memory_space<vmem_shared>>) offsets(%dma_start3A_57 : memref<80xi32, #tpu.memory_space<vmem>>) semaphore(%run_scoped3A_54 : memref<!tpu.dma_semaphore, #tpu.memory_space<semaphore_mem>>) {add = true}
        %dma_wait3A_61 = arith.constant 0 : i32
        %dma_wait3A_62 = tpu.memref_slice %arg8[%add3A_53, %dma_wait3A_61] : memref<125x80xi32, #tpu.memory_space<vmem>> -> memref<1x80xi32, #tpu.memory_space<vmem>>
        %dma_wait3A_63 = tpu.memref_squeeze %dma_wait3A_62 : memref<1x80xi32, #tpu.memory_space<vmem>> -> memref<80xi32, #tpu.memory_space<vmem>>
        %dma_wait3A_64 = arith.constant 0 : i32
        %dma_wait3A_65 = arith.constant 0 : i32
        %dma_wait3A_66 = tpu.memref_slice %arg11[%dma_wait3A_64, %dma_wait3A_65] : memref<10112x128xf32, #tpu.memory_space<vmem_shared>> -> memref<10112x128xf32, #tpu.memory_space<vmem_shared>>
        tpu.wait_indirect_dma semaphore(%run_scoped3A_54 : memref<!tpu.dma_semaphore, #tpu.memory_space<semaphore_mem>>) src(%arg10 : memref<80x128xf32, #tpu.memory_space<vmem>>) dst(%dma_wait3A_66 : memref<10112x128xf32, #tpu.memory_space<vmem_shared>>)
        tpu.yield
      }) : () -> ()
    }
    %scan3A_13 = arith.constant 62 : i32
    %dma_wait3A = arith.constant 9920 : i32
    %dma_wait3A_14 = tpu.memref_slice %arg7[%dma_wait3A] : memref<10000xi32, #tpu.memory_space<vmem>> -> memref<80xi32, #tpu.memory_space<vmem>>
    %dma_wait3A_15 = arith.constant 0 : i32
    %dma_wait3A_16 = arith.constant 0 : i32
    %dma_wait3A_17 = tpu.memref_slice %arg2[%dma_wait3A_15, %dma_wait3A_16] : memref<10000x128xf32, #tpu.memory_space<hbm>> -> memref<10000x128xf32, #tpu.memory_space<hbm>>
    tpu.wait_indirect_dma semaphore(%arg12 : memref<!tpu.dma_semaphore, #tpu.memory_space<semaphore_mem>>) src(%dma_wait3A_17 : memref<10000x128xf32, #tpu.memory_space<hbm>>) dst(%arg9 : memref<80x128xf32, #tpu.memory_space<vmem>>)
    %run_scoped3A = arith.constant 124 : i32
    "tpu.region"() ({
      %run_scoped3A_19 = tpu.sem_alloc : memref<!tpu.dma_semaphore, #tpu.memory_space<semaphore_mem>>
      %dma_start3A_20 = arith.constant 0 : i32
      %dma_start3A_21 = tpu.memref_slice %arg8[%run_scoped3A, %dma_start3A_20] : memref<125x80xi32, #tpu.memory_space<vmem>> -> memref<1x80xi32, #tpu.memory_space<vmem>>
      %dma_start3A_22 = tpu.memref_squeeze %dma_start3A_21 : memref<1x80xi32, #tpu.memory_space<vmem>> -> memref<80xi32, #tpu.memory_space<vmem>>
      %dma_start3A_23 = arith.constant 0 : i32
      %dma_start3A_24 = arith.constant 0 : i32
      %dma_start3A_25 = tpu.memref_slice %arg11[%dma_start3A_23, %dma_start3A_24] : memref<10112x128xf32, #tpu.memory_space<vmem_shared>> -> memref<10112x128xf32, #tpu.memory_space<vmem_shared>>
      tpu.enqueue_indirect_dma source(%arg9 : memref<80x128xf32, #tpu.memory_space<vmem>>) target(%dma_start3A_25 : memref<10112x128xf32, #tpu.memory_space<vmem_shared>>) offsets(%dma_start3A_22 : memref<80xi32, #tpu.memory_space<vmem>>) semaphore(%run_scoped3A_19 : memref<!tpu.dma_semaphore, #tpu.memory_space<semaphore_mem>>) {add = true}
      %dma_wait3A_26 = arith.constant 0 : i32
      %dma_wait3A_27 = tpu.memref_slice %arg8[%run_scoped3A, %dma_wait3A_26] : memref<125x80xi32, #tpu.memory_space<vmem>> -> memref<1x80xi32, #tpu.memory_space<vmem>>
      %dma_wait3A_28 = tpu.memref_squeeze %dma_wait3A_27 : memref<1x80xi32, #tpu.memory_space<vmem>> -> memref<80xi32, #tpu.memory_space<vmem>>
      %dma_wait3A_29 = arith.constant 0 : i32
      %dma_wait3A_30 = arith.constant 0 : i32
      %dma_wait3A_31 = tpu.memref_slice %arg11[%dma_wait3A_29, %dma_wait3A_30] : memref<10112x128xf32, #tpu.memory_space<vmem_shared>> -> memref<10112x128xf32, #tpu.memory_space<vmem_shared>>
      tpu.wait_indirect_dma semaphore(%run_scoped3A_19 : memref<!tpu.dma_semaphore, #tpu.memory_space<semaphore_mem>>) src(%arg9 : memref<80x128xf32, #tpu.memory_space<vmem>>) dst(%dma_wait3A_31 : memref<10112x128xf32, #tpu.memory_space<vmem_shared>>)
      tpu.yield
    }) : () -> ()
    %barrier3A_18 = arith.constant 0 : index
    tpu.barrier barrier_id(%barrier3A_18)
    "tpu.region"() ({
      %run_scoped3A_19 = tpu.sem_alloc : memref<!tpu.dma_semaphore, #tpu.memory_space<semaphore_mem>>
      %dma_start3A_20 = arith.constant 0 : i32
      %dma_start3A_21 = tpu.memref_slice %arg6[%arg0, %mul3A_4, %dma_start3A_20] : memref<2x10112x128xf32, #tpu.memory_space<hbm>> -> memref<1x632x128xf32, #tpu.memory_space<hbm>>
      %dma_start3A_22 = tpu.memref_squeeze %dma_start3A_21 : memref<1x632x128xf32, #tpu.memory_space<hbm>> -> memref<632x128xf32, #tpu.memory_space<hbm>>
      %dma_start3A_23 = arith.constant 0 : i32
      %dma_start3A_24 = tpu.memref_slice %arg11[%mul3A_4, %dma_start3A_23] : memref<10112x128xf32, #tpu.memory_space<vmem_shared>> -> memref<632x128xf32, #tpu.memory_space<vmem_shared>>
      tpu.enqueue_dma source(%dma_start3A_24 : memref<632x128xf32, #tpu.memory_space<vmem_shared>>) target(%dma_start3A_22 : memref<632x128xf32, #tpu.memory_space<hbm>>) target_semaphore(%run_scoped3A_19 : memref<!tpu.dma_semaphore, #tpu.memory_space<semaphore_mem>>)
      %dma_wait3A_25 = arith.constant 0 : i32
      %dma_wait3A_26 = tpu.memref_slice %arg6[%arg0, %mul3A_4, %dma_wait3A_25] : memref<2x10112x128xf32, #tpu.memory_space<hbm>> -> memref<1x632x128xf32, #tpu.memory_space<hbm>>
      %dma_wait3A_27 = tpu.memref_squeeze %dma_wait3A_26 : memref<1x632x128xf32, #tpu.memory_space<hbm>> -> memref<632x128xf32, #tpu.memory_space<hbm>>
      %dma_wait3A_28 = arith.constant 0 : i32
      %dma_wait3A_29 = tpu.memref_slice %arg11[%mul3A_4, %dma_wait3A_28] : memref<10112x128xf32, #tpu.memory_space<vmem_shared>> -> memref<632x128xf32, #tpu.memory_space<vmem_shared>>
      tpu.wait_dma2 semaphore(%run_scoped3A_19 : memref<!tpu.dma_semaphore, #tpu.memory_space<semaphore_mem>>) src(%dma_wait3A_29 : memref<632x128xf32, #tpu.memory_space<vmem_shared>>) dst(%dma_wait3A_27 : memref<632x128xf32, #tpu.memory_space<hbm>>)
      tpu.yield
    }) : () -> ()
    return
  }
}

#map = affine_map<(d0, d1) -> (0, 0)>
#map1 = affine_map<(d0, d1) -> (0)>
#map2 = affine_map<(d0, d1) -> (0, 0, 0)>
module attributes {stable_mosaic.version = 14 : i64} {
  func.func @_sc_agg_body(%arg0: i32, %arg1: i32, %arg2: memref<10000x128xf32, #tpu.memory_space<hbm>>, %arg3: memref<320000xi32, #tpu.memory_space<hbm>>, %arg4: memref<32x125x80xi32, #tpu.memory_space<hbm>>, %arg5: memref<10112x128xf32, #tpu.memory_space<hbm>>, %arg6: memref<2x10112x128xf32, #tpu.memory_space<hbm>>, %arg7: memref<10000xi32, #tpu.memory_space<vmem>>, %arg8: memref<125x80xi32, #tpu.memory_space<vmem>>, %arg9: memref<80x128xf32, #tpu.memory_space<vmem>>, %arg10: memref<80x128xf32, #tpu.memory_space<vmem>>, %arg11: memref<10112x128xf32, #tpu.memory_space<vmem_shared>>, %arg12: memref<!tpu.dma_semaphore, #tpu.memory_space<semaphore_mem>>, %arg13: memref<!tpu.dma_semaphore, #tpu.memory_space<semaphore_mem>>) attributes {dimension_semantics = [#tpu.dimension_semantics<core_parallel>, #tpu.dimension_semantics<subcore_parallel>], iteration_bounds = array<i64: 2, 16>, scalar_prefetch = 0 : i64, scratch_operands = 7 : i64, tpu.core_type = #tpu.core_type<sc_vector_subcore>, window_params = [{transform_indices = #map}, {transform_indices = #map1}, {transform_indices = #map2}, {transform_indices = #map}, {transform_indices = #map2}]} {
    %mul3A = arith.constant 2 : i32
    %mul3A_0 = arith.muli %arg1, %mul3A : i32
    %add3A = arith.addi %mul3A_0, %arg0 : i32
    %mul3A_1 = arith.constant 10000 : i32
    %mul3A_2 = arith.muli %add3A, %mul3A_1 : i32
    "tpu.region"() ({
      %run_scoped3A_19 = tpu.sem_alloc : memref<!tpu.dma_semaphore, #tpu.memory_space<semaphore_mem>>
      %dma_start3A_20 = tpu.memref_slice %arg3[%mul3A_2] : memref<320000xi32, #tpu.memory_space<hbm>> -> memref<10000xi32, #tpu.memory_space<hbm>>
      %dma_start3A_21 = tpu.memref_slice %arg3[%mul3A_2] : memref<320000xi32, #tpu.memory_space<hbm>> -> memref<10000xi32, #tpu.memory_space<hbm>>
      tpu.enqueue_dma source(%dma_start3A_21 : memref<10000xi32, #tpu.memory_space<hbm>>) target(%arg7 : memref<10000xi32, #tpu.memory_space<vmem>>) target_semaphore(%run_scoped3A_19 : memref<!tpu.dma_semaphore, #tpu.memory_space<semaphore_mem>>)
      %dma_wait3A_22 = tpu.memref_slice %arg3[%mul3A_2] : memref<320000xi32, #tpu.memory_space<hbm>> -> memref<10000xi32, #tpu.memory_space<hbm>>
      %dma_wait3A_23 = tpu.memref_slice %arg3[%mul3A_2] : memref<320000xi32, #tpu.memory_space<hbm>> -> memref<10000xi32, #tpu.memory_space<hbm>>
      tpu.wait_dma2 semaphore(%run_scoped3A_19 : memref<!tpu.dma_semaphore, #tpu.memory_space<semaphore_mem>>) src(%dma_wait3A_23 : memref<10000xi32, #tpu.memory_space<hbm>>) dst(%arg7 : memref<10000xi32, #tpu.memory_space<vmem>>)
      tpu.yield
    }) : () -> ()
    "tpu.region"() ({
      %run_scoped3A_19 = tpu.sem_alloc : memref<!tpu.dma_semaphore, #tpu.memory_space<semaphore_mem>>
      %dma_start3A_20 = arith.constant 0 : i32
      %dma_start3A_21 = arith.constant 0 : i32
      %dma_start3A_22 = tpu.memref_slice %arg4[%add3A, %dma_start3A_20, %dma_start3A_21] : memref<32x125x80xi32, #tpu.memory_space<hbm>> -> memref<1x125x80xi32, #tpu.memory_space<hbm>>
      %dma_start3A_23 = tpu.memref_squeeze %dma_start3A_22 : memref<1x125x80xi32, #tpu.memory_space<hbm>> -> memref<125x80xi32, #tpu.memory_space<hbm>>
      %dma_start3A_24 = arith.constant 0 : i32
      %dma_start3A_25 = arith.constant 0 : i32
      %dma_start3A_26 = tpu.memref_slice %arg4[%add3A, %dma_start3A_24, %dma_start3A_25] : memref<32x125x80xi32, #tpu.memory_space<hbm>> -> memref<1x125x80xi32, #tpu.memory_space<hbm>>
      %dma_start3A_27 = tpu.memref_squeeze %dma_start3A_26 : memref<1x125x80xi32, #tpu.memory_space<hbm>> -> memref<125x80xi32, #tpu.memory_space<hbm>>
      tpu.enqueue_dma source(%dma_start3A_27 : memref<125x80xi32, #tpu.memory_space<hbm>>) target(%arg8 : memref<125x80xi32, #tpu.memory_space<vmem>>) target_semaphore(%run_scoped3A_19 : memref<!tpu.dma_semaphore, #tpu.memory_space<semaphore_mem>>)
      %dma_wait3A_28 = arith.constant 0 : i32
      %dma_wait3A_29 = arith.constant 0 : i32
      %dma_wait3A_30 = tpu.memref_slice %arg4[%add3A, %dma_wait3A_28, %dma_wait3A_29] : memref<32x125x80xi32, #tpu.memory_space<hbm>> -> memref<1x125x80xi32, #tpu.memory_space<hbm>>
      %dma_wait3A_31 = tpu.memref_squeeze %dma_wait3A_30 : memref<1x125x80xi32, #tpu.memory_space<hbm>> -> memref<125x80xi32, #tpu.memory_space<hbm>>
      %dma_wait3A_32 = arith.constant 0 : i32
      %dma_wait3A_33 = arith.constant 0 : i32
      %dma_wait3A_34 = tpu.memref_slice %arg4[%add3A, %dma_wait3A_32, %dma_wait3A_33] : memref<32x125x80xi32, #tpu.memory_space<hbm>> -> memref<1x125x80xi32, #tpu.memory_space<hbm>>
      %dma_wait3A_35 = tpu.memref_squeeze %dma_wait3A_34 : memref<1x125x80xi32, #tpu.memory_space<hbm>> -> memref<125x80xi32, #tpu.memory_space<hbm>>
      tpu.wait_dma2 semaphore(%run_scoped3A_19 : memref<!tpu.dma_semaphore, #tpu.memory_space<semaphore_mem>>) src(%dma_wait3A_35 : memref<125x80xi32, #tpu.memory_space<hbm>>) dst(%arg8 : memref<125x80xi32, #tpu.memory_space<vmem>>)
      tpu.yield
    }) : () -> ()
    %mul3A_3 = arith.constant 632 : i32
    %mul3A_4 = arith.muli %arg1, %mul3A_3 : i32
    "tpu.region"() ({
      %run_scoped3A_19 = tpu.sem_alloc : memref<!tpu.dma_semaphore, #tpu.memory_space<semaphore_mem>>
      %dma_start3A_20 = arith.constant 0 : i32
      %dma_start3A_21 = tpu.memref_slice %arg11[%mul3A_4, %dma_start3A_20] : memref<10112x128xf32, #tpu.memory_space<vmem_shared>> -> memref<632x128xf32, #tpu.memory_space<vmem_shared>>
      %dma_start3A_22 = arith.constant 0 : i32
      %dma_start3A_23 = tpu.memref_slice %arg5[%mul3A_4, %dma_start3A_22] : memref<10112x128xf32, #tpu.memory_space<hbm>> -> memref<632x128xf32, #tpu.memory_space<hbm>>
      tpu.enqueue_dma source(%dma_start3A_23 : memref<632x128xf32, #tpu.memory_space<hbm>>) target(%dma_start3A_21 : memref<632x128xf32, #tpu.memory_space<vmem_shared>>) target_semaphore(%run_scoped3A_19 : memref<!tpu.dma_semaphore, #tpu.memory_space<semaphore_mem>>)
      %dma_wait3A_24 = arith.constant 0 : i32
      %dma_wait3A_25 = tpu.memref_slice %arg11[%mul3A_4, %dma_wait3A_24] : memref<10112x128xf32, #tpu.memory_space<vmem_shared>> -> memref<632x128xf32, #tpu.memory_space<vmem_shared>>
      %dma_wait3A_26 = arith.constant 0 : i32
      %dma_wait3A_27 = tpu.memref_slice %arg5[%mul3A_4, %dma_wait3A_26] : memref<10112x128xf32, #tpu.memory_space<hbm>> -> memref<632x128xf32, #tpu.memory_space<hbm>>
      tpu.wait_dma2 semaphore(%run_scoped3A_19 : memref<!tpu.dma_semaphore, #tpu.memory_space<semaphore_mem>>) src(%dma_wait3A_27 : memref<632x128xf32, #tpu.memory_space<hbm>>) dst(%dma_wait3A_25 : memref<632x128xf32, #tpu.memory_space<vmem_shared>>)
      tpu.yield
    }) : () -> ()
    %barrier3A = arith.constant 0 : index
    tpu.barrier barrier_id(%barrier3A)
    %dma_start3A = arith.constant 0 : i32
    %dma_start3A_5 = tpu.memref_slice %arg7[%dma_start3A] : memref<10000xi32, #tpu.memory_space<vmem>> -> memref<80xi32, #tpu.memory_space<vmem>>
    %dma_start3A_6 = arith.constant 0 : i32
    %dma_start3A_7 = arith.constant 0 : i32
    %dma_start3A_8 = tpu.memref_slice %arg2[%dma_start3A_6, %dma_start3A_7] : memref<10000x128xf32, #tpu.memory_space<hbm>> -> memref<10000x128xf32, #tpu.memory_space<hbm>>
    tpu.enqueue_indirect_dma source(%dma_start3A_8 : memref<10000x128xf32, #tpu.memory_space<hbm>>) target(%arg9 : memref<80x128xf32, #tpu.memory_space<vmem>>) offsets(%dma_start3A_5 : memref<80xi32, #tpu.memory_space<vmem>>) semaphore(%arg12 : memref<!tpu.dma_semaphore, #tpu.memory_space<semaphore_mem>>)
    %scan3A = arith.constant 0 : i32
    %scan3A_9 = arith.constant 0 : i32
    %scan3A_10 = arith.constant 62 : i32
    %scan3A_11 = arith.addi %scan3A_9, %scan3A_10 : i32
    %scan3A_12 = arith.constant 1 : i32
    scf.for %scan3A_19 = %scan3A_9 to %scan3A_11 step %scan3A_12  : i32 {
      %mul3A_20 = arith.constant 2 : i32
      %mul3A_21 = arith.muli %mul3A_20, %scan3A_19 : i32
      %mul3A_22 = arith.constant 80 : i32
      %mul3A_23 = arith.muli %mul3A_21, %mul3A_22 : i32
      %dma_wait3A_24 = tpu.memref_slice %arg7[%mul3A_23] : memref<10000xi32, #tpu.memory_space<vmem>> -> memref<80xi32, #tpu.memory_space<vmem>>
      %dma_wait3A_25 = arith.constant 0 : i32
      %dma_wait3A_26 = arith.constant 0 : i32
      %dma_wait3A_27 = tpu.memref_slice %arg2[%dma_wait3A_25, %dma_wait3A_26] : memref<10000x128xf32, #tpu.memory_space<hbm>> -> memref<10000x128xf32, #tpu.memory_space<hbm>>
      tpu.wait_indirect_dma semaphore(%arg12 : memref<!tpu.dma_semaphore, #tpu.memory_space<semaphore_mem>>) src(%dma_wait3A_27 : memref<10000x128xf32, #tpu.memory_space<hbm>>) dst(%arg9 : memref<80x128xf32, #tpu.memory_space<vmem>>)
      %add3A_28 = arith.constant 1 : i32
      %add3A_29 = arith.addi %mul3A_21, %add3A_28 : i32
      %mul3A_30 = arith.constant 80 : i32
      %mul3A_31 = arith.muli %add3A_29, %mul3A_30 : i32
      %dma_start3A_32 = tpu.memref_slice %arg7[%mul3A_31] : memref<10000xi32, #tpu.memory_space<vmem>> -> memref<80xi32, #tpu.memory_space<vmem>>
      %dma_start3A_33 = arith.constant 0 : i32
      %dma_start3A_34 = arith.constant 0 : i32
      %dma_start3A_35 = tpu.memref_slice %arg2[%dma_start3A_33, %dma_start3A_34] : memref<10000x128xf32, #tpu.memory_space<hbm>> -> memref<10000x128xf32, #tpu.memory_space<hbm>>
      tpu.enqueue_indirect_dma source(%dma_start3A_35 : memref<10000x128xf32, #tpu.memory_space<hbm>>) target(%arg10 : memref<80x128xf32, #tpu.memory_space<vmem>>) offsets(%dma_start3A_32 : memref<80xi32, #tpu.memory_space<vmem>>) semaphore(%arg13 : memref<!tpu.dma_semaphore, #tpu.memory_space<semaphore_mem>>)
      "tpu.region"() ({
        %run_scoped3A_54 = tpu.sem_alloc : memref<!tpu.dma_semaphore, #tpu.memory_space<semaphore_mem>>
        %dma_start3A_55 = arith.constant 0 : i32
        %dma_start3A_56 = tpu.memref_slice %arg8[%mul3A_21, %dma_start3A_55] : memref<125x80xi32, #tpu.memory_space<vmem>> -> memref<1x80xi32, #tpu.memory_space<vmem>>
        %dma_start3A_57 = tpu.memref_squeeze %dma_start3A_56 : memref<1x80xi32, #tpu.memory_space<vmem>> -> memref<80xi32, #tpu.memory_space<vmem>>
        %dma_start3A_58 = arith.constant 0 : i32
        %dma_start3A_59 = arith.constant 0 : i32
        %dma_start3A_60 = tpu.memref_slice %arg11[%dma_start3A_58, %dma_start3A_59] : memref<10112x128xf32, #tpu.memory_space<vmem_shared>> -> memref<10112x128xf32, #tpu.memory_space<vmem_shared>>
        tpu.enqueue_indirect_dma source(%arg9 : memref<80x128xf32, #tpu.memory_space<vmem>>) target(%dma_start3A_60 : memref<10112x128xf32, #tpu.memory_space<vmem_shared>>) offsets(%dma_start3A_57 : memref<80xi32, #tpu.memory_space<vmem>>) semaphore(%run_scoped3A_54 : memref<!tpu.dma_semaphore, #tpu.memory_space<semaphore_mem>>) {add = true}
        %dma_wait3A_61 = arith.constant 0 : i32
        %dma_wait3A_62 = tpu.memref_slice %arg8[%mul3A_21, %dma_wait3A_61] : memref<125x80xi32, #tpu.memory_space<vmem>> -> memref<1x80xi32, #tpu.memory_space<vmem>>
        %dma_wait3A_63 = tpu.memref_squeeze %dma_wait3A_62 : memref<1x80xi32, #tpu.memory_space<vmem>> -> memref<80xi32, #tpu.memory_space<vmem>>
        %dma_wait3A_64 = arith.constant 0 : i32
        %dma_wait3A_65 = arith.constant 0 : i32
        %dma_wait3A_66 = tpu.memref_slice %arg11[%dma_wait3A_64, %dma_wait3A_65] : memref<10112x128xf32, #tpu.memory_space<vmem_shared>> -> memref<10112x128xf32, #tpu.memory_space<vmem_shared>>
        tpu.wait_indirect_dma semaphore(%run_scoped3A_54 : memref<!tpu.dma_semaphore, #tpu.memory_space<semaphore_mem>>) src(%arg9 : memref<80x128xf32, #tpu.memory_space<vmem>>) dst(%dma_wait3A_66 : memref<10112x128xf32, #tpu.memory_space<vmem_shared>>)
        tpu.yield
      }) : () -> ()
      %add3A_36 = arith.constant 1 : i32
      %add3A_37 = arith.addi %mul3A_21, %add3A_36 : i32
      %mul3A_38 = arith.constant 80 : i32
      %mul3A_39 = arith.muli %add3A_37, %mul3A_38 : i32
      %dma_wait3A_40 = tpu.memref_slice %arg7[%mul3A_39] : memref<10000xi32, #tpu.memory_space<vmem>> -> memref<80xi32, #tpu.memory_space<vmem>>
      %dma_wait3A_41 = arith.constant 0 : i32
      %dma_wait3A_42 = arith.constant 0 : i32
      %dma_wait3A_43 = tpu.memref_slice %arg2[%dma_wait3A_41, %dma_wait3A_42] : memref<10000x128xf32, #tpu.memory_space<hbm>> -> memref<10000x128xf32, #tpu.memory_space<hbm>>
      tpu.wait_indirect_dma semaphore(%arg13 : memref<!tpu.dma_semaphore, #tpu.memory_space<semaphore_mem>>) src(%dma_wait3A_43 : memref<10000x128xf32, #tpu.memory_space<hbm>>) dst(%arg10 : memref<80x128xf32, #tpu.memory_space<vmem>>)
      %add3A_44 = arith.constant 2 : i32
      %add3A_45 = arith.addi %mul3A_21, %add3A_44 : i32
      %mul3A_46 = arith.constant 80 : i32
      %mul3A_47 = arith.muli %add3A_45, %mul3A_46 : i32
      %dma_start3A_48 = tpu.memref_slice %arg7[%mul3A_47] : memref<10000xi32, #tpu.memory_space<vmem>> -> memref<80xi32, #tpu.memory_space<vmem>>
      %dma_start3A_49 = arith.constant 0 : i32
      %dma_start3A_50 = arith.constant 0 : i32
      %dma_start3A_51 = tpu.memref_slice %arg2[%dma_start3A_49, %dma_start3A_50] : memref<10000x128xf32, #tpu.memory_space<hbm>> -> memref<10000x128xf32, #tpu.memory_space<hbm>>
      tpu.enqueue_indirect_dma source(%dma_start3A_51 : memref<10000x128xf32, #tpu.memory_space<hbm>>) target(%arg9 : memref<80x128xf32, #tpu.memory_space<vmem>>) offsets(%dma_start3A_48 : memref<80xi32, #tpu.memory_space<vmem>>) semaphore(%arg12 : memref<!tpu.dma_semaphore, #tpu.memory_space<semaphore_mem>>)
      %add3A_52 = arith.constant 1 : i32
      %add3A_53 = arith.addi %mul3A_21, %add3A_52 : i32
      "tpu.region"() ({
        %run_scoped3A_54 = tpu.sem_alloc : memref<!tpu.dma_semaphore, #tpu.memory_space<semaphore_mem>>
        %dma_start3A_55 = arith.constant 0 : i32
        %dma_start3A_56 = tpu.memref_slice %arg8[%add3A_53, %dma_start3A_55] : memref<125x80xi32, #tpu.memory_space<vmem>> -> memref<1x80xi32, #tpu.memory_space<vmem>>
        %dma_start3A_57 = tpu.memref_squeeze %dma_start3A_56 : memref<1x80xi32, #tpu.memory_space<vmem>> -> memref<80xi32, #tpu.memory_space<vmem>>
        %dma_start3A_58 = arith.constant 0 : i32
        %dma_start3A_59 = arith.constant 0 : i32
        %dma_start3A_60 = tpu.memref_slice %arg11[%dma_start3A_58, %dma_start3A_59] : memref<10112x128xf32, #tpu.memory_space<vmem_shared>> -> memref<10112x128xf32, #tpu.memory_space<vmem_shared>>
        tpu.enqueue_indirect_dma source(%arg10 : memref<80x128xf32, #tpu.memory_space<vmem>>) target(%dma_start3A_60 : memref<10112x128xf32, #tpu.memory_space<vmem_shared>>) offsets(%dma_start3A_57 : memref<80xi32, #tpu.memory_space<vmem>>) semaphore(%run_scoped3A_54 : memref<!tpu.dma_semaphore, #tpu.memory_space<semaphore_mem>>) {add = true}
        %dma_wait3A_61 = arith.constant 0 : i32
        %dma_wait3A_62 = tpu.memref_slice %arg8[%add3A_53, %dma_wait3A_61] : memref<125x80xi32, #tpu.memory_space<vmem>> -> memref<1x80xi32, #tpu.memory_space<vmem>>
        %dma_wait3A_63 = tpu.memref_squeeze %dma_wait3A_62 : memref<1x80xi32, #tpu.memory_space<vmem>> -> memref<80xi32, #tpu.memory_space<vmem>>
        %dma_wait3A_64 = arith.constant 0 : i32
        %dma_wait3A_65 = arith.constant 0 : i32
        %dma_wait3A_66 = tpu.memref_slice %arg11[%dma_wait3A_64, %dma_wait3A_65] : memref<10112x128xf32, #tpu.memory_space<vmem_shared>> -> memref<10112x128xf32, #tpu.memory_space<vmem_shared>>
        tpu.wait_indirect_dma semaphore(%run_scoped3A_54 : memref<!tpu.dma_semaphore, #tpu.memory_space<semaphore_mem>>) src(%arg10 : memref<80x128xf32, #tpu.memory_space<vmem>>) dst(%dma_wait3A_66 : memref<10112x128xf32, #tpu.memory_space<vmem_shared>>)
        tpu.yield
      }) : () -> ()
    }
    %scan3A_13 = arith.constant 62 : i32
    %dma_wait3A = arith.constant 9920 : i32
    %dma_wait3A_14 = tpu.memref_slice %arg7[%dma_wait3A] : memref<10000xi32, #tpu.memory_space<vmem>> -> memref<80xi32, #tpu.memory_space<vmem>>
    %dma_wait3A_15 = arith.constant 0 : i32
    %dma_wait3A_16 = arith.constant 0 : i32
    %dma_wait3A_17 = tpu.memref_slice %arg2[%dma_wait3A_15, %dma_wait3A_16] : memref<10000x128xf32, #tpu.memory_space<hbm>> -> memref<10000x128xf32, #tpu.memory_space<hbm>>
    tpu.wait_indirect_dma semaphore(%arg12 : memref<!tpu.dma_semaphore, #tpu.memory_space<semaphore_mem>>) src(%dma_wait3A_17 : memref<10000x128xf32, #tpu.memory_space<hbm>>) dst(%arg9 : memref<80x128xf32, #tpu.memory_space<vmem>>)
    %run_scoped3A = arith.constant 124 : i32
    "tpu.region"() ({
      %run_scoped3A_19 = tpu.sem_alloc : memref<!tpu.dma_semaphore, #tpu.memory_space<semaphore_mem>>
      %dma_start3A_20 = arith.constant 0 : i32
      %dma_start3A_21 = tpu.memref_slice %arg8[%run_scoped3A, %dma_start3A_20] : memref<125x80xi32, #tpu.memory_space<vmem>> -> memref<1x80xi32, #tpu.memory_space<vmem>>
      %dma_start3A_22 = tpu.memref_squeeze %dma_start3A_21 : memref<1x80xi32, #tpu.memory_space<vmem>> -> memref<80xi32, #tpu.memory_space<vmem>>
      %dma_start3A_23 = arith.constant 0 : i32
      %dma_start3A_24 = arith.constant 0 : i32
      %dma_start3A_25 = tpu.memref_slice %arg11[%dma_start3A_23, %dma_start3A_24] : memref<10112x128xf32, #tpu.memory_space<vmem_shared>> -> memref<10112x128xf32, #tpu.memory_space<vmem_shared>>
      tpu.enqueue_indirect_dma source(%arg9 : memref<80x128xf32, #tpu.memory_space<vmem>>) target(%dma_start3A_25 : memref<10112x128xf32, #tpu.memory_space<vmem_shared>>) offsets(%dma_start3A_22 : memref<80xi32, #tpu.memory_space<vmem>>) semaphore(%run_scoped3A_19 : memref<!tpu.dma_semaphore, #tpu.memory_space<semaphore_mem>>) {add = true}
      %dma_wait3A_26 = arith.constant 0 : i32
      %dma_wait3A_27 = tpu.memref_slice %arg8[%run_scoped3A, %dma_wait3A_26] : memref<125x80xi32, #tpu.memory_space<vmem>> -> memref<1x80xi32, #tpu.memory_space<vmem>>
      %dma_wait3A_28 = tpu.memref_squeeze %dma_wait3A_27 : memref<1x80xi32, #tpu.memory_space<vmem>> -> memref<80xi32, #tpu.memory_space<vmem>>
      %dma_wait3A_29 = arith.constant 0 : i32
      %dma_wait3A_30 = arith.constant 0 : i32
      %dma_wait3A_31 = tpu.memref_slice %arg11[%dma_wait3A_29, %dma_wait3A_30] : memref<10112x128xf32, #tpu.memory_space<vmem_shared>> -> memref<10112x128xf32, #tpu.memory_space<vmem_shared>>
      tpu.wait_indirect_dma semaphore(%run_scoped3A_19 : memref<!tpu.dma_semaphore, #tpu.memory_space<semaphore_mem>>) src(%arg9 : memref<80x128xf32, #tpu.memory_space<vmem>>) dst(%dma_wait3A_31 : memref<10112x128xf32, #tpu.memory_space<vmem_shared>>)
      tpu.yield
    }) : () -> ()
    %barrier3A_18 = arith.constant 0 : index
    tpu.barrier barrier_id(%barrier3A_18)
    "tpu.region"() ({
      %run_scoped3A_19 = tpu.sem_alloc : memref<!tpu.dma_semaphore, #tpu.memory_space<semaphore_mem>>
      %dma_start3A_20 = arith.constant 0 : i32
      %dma_start3A_21 = tpu.memref_slice %arg6[%arg0, %mul3A_4, %dma_start3A_20] : memref<2x10112x128xf32, #tpu.memory_space<hbm>> -> memref<1x632x128xf32, #tpu.memory_space<hbm>>
      %dma_start3A_22 = tpu.memref_squeeze %dma_start3A_21 : memref<1x632x128xf32, #tpu.memory_space<hbm>> -> memref<632x128xf32, #tpu.memory_space<hbm>>
      %dma_start3A_23 = arith.constant 0 : i32
      %dma_start3A_24 = tpu.memref_slice %arg11[%mul3A_4, %dma_start3A_23] : memref<10112x128xf32, #tpu.memory_space<vmem_shared>> -> memref<632x128xf32, #tpu.memory_space<vmem_shared>>
      tpu.enqueue_dma source(%dma_start3A_24 : memref<632x128xf32, #tpu.memory_space<vmem_shared>>) target(%dma_start3A_22 : memref<632x128xf32, #tpu.memory_space<hbm>>) target_semaphore(%run_scoped3A_19 : memref<!tpu.dma_semaphore, #tpu.memory_space<semaphore_mem>>)
      %dma_wait3A_25 = arith.constant 0 : i32
      %dma_wait3A_26 = tpu.memref_slice %arg6[%arg0, %mul3A_4, %dma_wait3A_25] : memref<2x10112x128xf32, #tpu.memory_space<hbm>> -> memref<1x632x128xf32, #tpu.memory_space<hbm>>
      %dma_wait3A_27 = tpu.memref_squeeze %dma_wait3A_26 : memref<1x632x128xf32, #tpu.memory_space<hbm>> -> memref<632x128xf32, #tpu.memory_space<hbm>>
      %dma_wait3A_28 = arith.constant 0 : i32
      %dma_wait3A_29 = tpu.memref_slice %arg11[%mul3A_4, %dma_wait3A_28] : memref<10112x128xf32, #tpu.memory_space<vmem_shared>> -> memref<632x128xf32, #tpu.memory_space<vmem_shared>>
      tpu.wait_dma2 semaphore(%run_scoped3A_19 : memref<!tpu.dma_semaphore, #tpu.memory_space<semaphore_mem>>) src(%dma_wait3A_29 : memref<632x128xf32, #tpu.memory_space<vmem_shared>>) dst(%dma_wait3A_27 : memref<632x128xf32, #tpu.memory_space<hbm>>)
      tpu.yield
    }) : () -> ()
    return
  }
}

module attributes {stable_mosaic.version = 14 : i64} {
  func.func @_dense_body(%arg0: i32, %arg1: memref<1000x128xf32, #tpu.memory_space<vmem>>, %arg2: memref<2x1000x128xf32, #tpu.memory_space<vmem>>, %arg3: memref<128x128xf32, #tpu.memory_space<vmem>>, %arg4: memref<128x128xf32, #tpu.memory_space<vmem>>, %arg5: memref<1x128xf32, #tpu.memory_space<vmem>>, %arg6: memref<1000x128xf32, #tpu.memory_space<vmem>>) attributes {dimension_semantics = [#tpu.dimension_semantics<arbitrary>], iteration_bounds = array<i64: 10>, scalar_prefetch = 0 : i64, scratch_operands = 0 : i64, tpu.core_type = #tpu.core_type<tc>, window_params = [{transform_indices = @transform_0, window_bounds = array<i64: 1000, 128>}, {transform_indices = @transform_1, window_bounds = array<i64: 2, 1000, 128>}, {pipeline_mode = #tpu.pipeline_mode<synchronous>, transform_indices = @transform_2, window_bounds = array<i64: 128, 128>}, {pipeline_mode = #tpu.pipeline_mode<synchronous>, transform_indices = @transform_3, window_bounds = array<i64: 128, 128>}, {pipeline_mode = #tpu.pipeline_mode<synchronous>, transform_indices = @transform_4, window_bounds = array<i64: 1, 128>}, {transform_indices = @transform_5, window_bounds = array<i64: 1000, 128>}]} {
    %get3A = arith.constant 0 : index
    %get3A_0 = arith.constant 0 : index
    %get3A_1 = arith.constant 0 : index
    %get3A_2 = vector.load %arg2[%get3A, %get3A_0, %get3A_1] : memref<2x1000x128xf32, #tpu.memory_space<vmem>>, vector<1x1000x128xf32>
    %get3A_3 = vector.shape_cast %get3A_2 : vector<1x1000x128xf32> to vector<1000x128xf32>
    %get3A_4 = arith.constant 1 : index
    %get3A_5 = arith.constant 0 : index
    %get3A_6 = arith.constant 0 : index
    %get3A_7 = vector.load %arg2[%get3A_4, %get3A_5, %get3A_6] : memref<2x1000x128xf32, #tpu.memory_space<vmem>>, vector<1x1000x128xf32>
    %get3A_8 = vector.shape_cast %get3A_7 : vector<1x1000x128xf32> to vector<1000x128xf32>
    %add3A = arith.addf %get3A_3, %get3A_8 : vector<1000x128xf32>
    %get3A_9 = arith.constant 0 : index
    %get3A_10 = arith.constant 0 : index
    %get3A_11 = vector.load %arg1[%get3A_9, %get3A_10] : memref<1000x128xf32, #tpu.memory_space<vmem>>, vector<1000x128xf32>
    %get3A_12 = arith.constant 0 : index
    %get3A_13 = arith.constant 0 : index
    %get3A_14 = vector.load %arg3[%get3A_12, %get3A_13] : memref<128x128xf32, #tpu.memory_space<vmem>>, vector<128x128xf32>
    %dot_general3A = arith.constant dense<0.000000e+00> : vector<1000x128xf32>
    %dot_general3A_15 = tpu.matmul %get3A_11, %get3A_14, %dot_general3A {dimension_numbers = #tpu.dot_dimension_numbers<[1], [1], [0], [0], [0, 0, 1, 0], [], []>, transpose_lhs_hint = false} : vector<1000x128xf32>, vector<128x128xf32>, vector<1000x128xf32> -> vector<1000x128xf32>
    %get3A_16 = arith.constant 0 : index
    %get3A_17 = arith.constant 0 : index
    %get3A_18 = vector.load %arg4[%get3A_16, %get3A_17] : memref<128x128xf32, #tpu.memory_space<vmem>>, vector<128x128xf32>
    %dot_general3A_19 = arith.constant dense<0.000000e+00> : vector<1000x128xf32>
    %dot_general3A_20 = tpu.matmul %add3A, %get3A_18, %dot_general3A_19 {dimension_numbers = #tpu.dot_dimension_numbers<[1], [1], [0], [0], [0, 0, 1, 0], [], []>, transpose_lhs_hint = false} : vector<1000x128xf32>, vector<128x128xf32>, vector<1000x128xf32> -> vector<1000x128xf32>
    %add3A_21 = arith.addf %dot_general3A_15, %dot_general3A_20 : vector<1000x128xf32>
    %get3A_22 = arith.constant 0 : index
    %get3A_23 = arith.constant 0 : index
    %get3A_24 = vector.load %arg5[%get3A_22, %get3A_23] : memref<1x128xf32, #tpu.memory_space<vmem>>, vector<1x128xf32>
    %add3A_25 = vector.broadcast %get3A_24 : vector<1x128xf32> to vector<1000x128xf32>
    %add3A_26 = arith.addf %add3A_21, %add3A_25 : vector<1000x128xf32>
    %max3A = arith.constant 0.000000e+00 : f32
    %max3A_27 = vector.broadcast %max3A : f32 to vector<1000x128xf32>
    %max3A_28 = arith.maximumf %add3A_26, %max3A_27 : vector<1000x128xf32>
    %swap3A = arith.constant 0 : index
    %swap3A_29 = arith.constant 0 : index
    %swap3A_30 = vector.load %arg6[%swap3A, %swap3A_29] : memref<1000x128xf32, #tpu.memory_space<vmem>>, vector<1000x128xf32>
    tpu.vector_store %arg6[%swap3A, %swap3A_29], %max3A_28 {strides = array<i32>} : memref<1000x128xf32, #tpu.memory_space<vmem>>, vector<1000x128xf32>,
    return
  }
  func.func @transform_0(%arg0: i32) -> (i32, i32) {
    %c0_i32 = arith.constant 0 : i32
    %c0_i32_0 = arith.constant 0 : i32
    return %arg0, %c0_i32 : i32, i32
  }
  func.func @transform_1(%arg0: i32) -> (i32, i32, i32) {
    %c0_i32 = arith.constant 0 : i32
    %c0_i32_0 = arith.constant 0 : i32
    %c0_i32_1 = arith.constant 0 : i32
    return %c0_i32, %arg0, %c0_i32_0 : i32, i32, i32
  }
  func.func @transform_2(%arg0: i32) -> (i32, i32) {
    %c0_i32 = arith.constant 0 : i32
    %c0_i32_0 = arith.constant 0 : i32
    %c0_i32_1 = arith.constant 0 : i32
    return %c0_i32, %c0_i32_0 : i32, i32
  }
  func.func @transform_3(%arg0: i32) -> (i32, i32) {
    %c0_i32 = arith.constant 0 : i32
    %c0_i32_0 = arith.constant 0 : i32
    %c0_i32_1 = arith.constant 0 : i32
    return %c0_i32, %c0_i32_0 : i32, i32
  }
  func.func @transform_4(%arg0: i32) -> (i32, i32) {
    %c0_i32 = arith.constant 0 : i32
    %c0_i32_0 = arith.constant 0 : i32
    %c0_i32_1 = arith.constant 0 : i32
    return %c0_i32, %c0_i32_0 : i32, i32
  }
  func.func @transform_5(%arg0: i32) -> (i32, i32) {
    %c0_i32 = arith.constant 0 : i32
    %c0_i32_0 = arith.constant 0 : i32
    return %arg0, %c0_i32 : i32, i32
  }
}

module attributes {stable_mosaic.version = 14 : i64} {
  func.func @_dense_body(%arg0: i32, %arg1: memref<1000x128xf32, #tpu.memory_space<vmem>>, %arg2: memref<2x1000x128xf32, #tpu.memory_space<vmem>>, %arg3: memref<128x128xf32, #tpu.memory_space<vmem>>, %arg4: memref<128x128xf32, #tpu.memory_space<vmem>>, %arg5: memref<1x128xf32, #tpu.memory_space<vmem>>, %arg6: memref<1000x128xf32, #tpu.memory_space<vmem>>) attributes {dimension_semantics = [#tpu.dimension_semantics<arbitrary>], iteration_bounds = array<i64: 10>, scalar_prefetch = 0 : i64, scratch_operands = 0 : i64, tpu.core_type = #tpu.core_type<tc>, window_params = [{transform_indices = @transform_0, window_bounds = array<i64: 1000, 128>}, {transform_indices = @transform_1, window_bounds = array<i64: 2, 1000, 128>}, {pipeline_mode = #tpu.pipeline_mode<synchronous>, transform_indices = @transform_2, window_bounds = array<i64: 128, 128>}, {pipeline_mode = #tpu.pipeline_mode<synchronous>, transform_indices = @transform_3, window_bounds = array<i64: 128, 128>}, {pipeline_mode = #tpu.pipeline_mode<synchronous>, transform_indices = @transform_4, window_bounds = array<i64: 1, 128>}, {transform_indices = @transform_5, window_bounds = array<i64: 1000, 128>}]} {
    %get3A = arith.constant 0 : index
    %get3A_0 = arith.constant 0 : index
    %get3A_1 = arith.constant 0 : index
    %get3A_2 = vector.load %arg2[%get3A, %get3A_0, %get3A_1] : memref<2x1000x128xf32, #tpu.memory_space<vmem>>, vector<1x1000x128xf32>
    %get3A_3 = vector.shape_cast %get3A_2 : vector<1x1000x128xf32> to vector<1000x128xf32>
    %get3A_4 = arith.constant 1 : index
    %get3A_5 = arith.constant 0 : index
    %get3A_6 = arith.constant 0 : index
    %get3A_7 = vector.load %arg2[%get3A_4, %get3A_5, %get3A_6] : memref<2x1000x128xf32, #tpu.memory_space<vmem>>, vector<1x1000x128xf32>
    %get3A_8 = vector.shape_cast %get3A_7 : vector<1x1000x128xf32> to vector<1000x128xf32>
    %add3A = arith.addf %get3A_3, %get3A_8 : vector<1000x128xf32>
    %get3A_9 = arith.constant 0 : index
    %get3A_10 = arith.constant 0 : index
    %get3A_11 = vector.load %arg1[%get3A_9, %get3A_10] : memref<1000x128xf32, #tpu.memory_space<vmem>>, vector<1000x128xf32>
    %get3A_12 = arith.constant 0 : index
    %get3A_13 = arith.constant 0 : index
    %get3A_14 = vector.load %arg3[%get3A_12, %get3A_13] : memref<128x128xf32, #tpu.memory_space<vmem>>, vector<128x128xf32>
    %dot_general3A = arith.constant dense<0.000000e+00> : vector<1000x128xf32>
    %dot_general3A_15 = tpu.matmul %get3A_11, %get3A_14, %dot_general3A {dimension_numbers = #tpu.dot_dimension_numbers<[1], [1], [0], [0], [0, 0, 1, 0], [], []>, transpose_lhs_hint = false} : vector<1000x128xf32>, vector<128x128xf32>, vector<1000x128xf32> -> vector<1000x128xf32>
    %get3A_16 = arith.constant 0 : index
    %get3A_17 = arith.constant 0 : index
    %get3A_18 = vector.load %arg4[%get3A_16, %get3A_17] : memref<128x128xf32, #tpu.memory_space<vmem>>, vector<128x128xf32>
    %dot_general3A_19 = arith.constant dense<0.000000e+00> : vector<1000x128xf32>
    %dot_general3A_20 = tpu.matmul %add3A, %get3A_18, %dot_general3A_19 {dimension_numbers = #tpu.dot_dimension_numbers<[1], [1], [0], [0], [0, 0, 1, 0], [], []>, transpose_lhs_hint = false} : vector<1000x128xf32>, vector<128x128xf32>, vector<1000x128xf32> -> vector<1000x128xf32>
    %add3A_21 = arith.addf %dot_general3A_15, %dot_general3A_20 : vector<1000x128xf32>
    %get3A_22 = arith.constant 0 : index
    %get3A_23 = arith.constant 0 : index
    %get3A_24 = vector.load %arg5[%get3A_22, %get3A_23] : memref<1x128xf32, #tpu.memory_space<vmem>>, vector<1x128xf32>
    %add3A_25 = vector.broadcast %get3A_24 : vector<1x128xf32> to vector<1000x128xf32>
    %add3A_26 = arith.addf %add3A_21, %add3A_25 : vector<1000x128xf32>
    %swap3A = arith.constant 0 : index
    %swap3A_27 = arith.constant 0 : index
    %swap3A_28 = vector.load %arg6[%swap3A, %swap3A_27] : memref<1000x128xf32, #tpu.memory_space<vmem>>, vector<1000x128xf32>
    tpu.vector_store %arg6[%swap3A, %swap3A_27], %add3A_26 {strides = array<i32>} : memref<1000x128xf32, #tpu.memory_space<vmem>>, vector<1000x128xf32>,
    return
  }
  func.func @transform_0(%arg0: i32) -> (i32, i32) {
    %c0_i32 = arith.constant 0 : i32
    %c0_i32_0 = arith.constant 0 : i32
    return %arg0, %c0_i32 : i32, i32
  }
  func.func @transform_1(%arg0: i32) -> (i32, i32, i32) {
    %c0_i32 = arith.constant 0 : i32
    %c0_i32_0 = arith.constant 0 : i32
    %c0_i32_1 = arith.constant 0 : i32
    return %c0_i32, %arg0, %c0_i32_0 : i32, i32, i32
  }
  func.func @transform_2(%arg0: i32) -> (i32, i32) {
    %c0_i32 = arith.constant 0 : i32
    %c0_i32_0 = arith.constant 0 : i32
    %c0_i32_1 = arith.constant 0 : i32
    return %c0_i32, %c0_i32_0 : i32, i32
  }
  func.func @transform_3(%arg0: i32) -> (i32, i32) {
    %c0_i32 = arith.constant 0 : i32
    %c0_i32_0 = arith.constant 0 : i32
    %c0_i32_1 = arith.constant 0 : i32
    return %c0_i32, %c0_i32_0 : i32, i32
  }
  func.func @transform_4(%arg0: i32) -> (i32, i32) {
    %c0_i32 = arith.constant 0 : i32
    %c0_i32_0 = arith.constant 0 : i32
    %c0_i32_1 = arith.constant 0 : i32
    return %c0_i32, %c0_i32_0 : i32, i32
  }
  func.func @transform_5(%arg0: i32) -> (i32, i32) {
    %c0_i32 = arith.constant 0 : i32
    %c0_i32_0 = arith.constant 0 : i32
    return %arg0, %c0_i32 : i32, i32
  }
}

</mosaic_0001>

<sc_bundles>
// kernel: kernel.6.cloned.1.call-start
scs
__scs_entry_jumppad:
0x0: {  	(pc) =	sbr.rel $0x88, $3  }
0x1: {  	(tag) =	ssettag $0x0;
	lr =	simm.s32 $0x1  }
0x2: {  	[smem:$0x3F99] =	sst lr;
	_ =	strace $0xD0000000  }
0x3: {  	_ = 	snop  }
0x4: {  	_ = 	snop  }
0x5: {  	_ = 	snop  }
0x6: {  	_ = 	snop  }
0x7: {  	_ = 	snop  }
__scs_overlays_trampoline_lowered:
0x8: {  	[smem:$0x3FA8] =	sst s0  }
0x9: {  	[smem:$0x3FA9] =	sst s1  }
0xa: {  	[smem:$0x3FAA] =	sst s2  }
0xb: {  	[smem:$0x3FAB] =	sst s3  }
0xc: {  	[smem:$0x3FAC] =	sst s4  }
0xd: {  	[smem:$0x3FAD] =	sst s5  }
0xe: {  	[smem:$0x3FAE] =	sst s6  }
0xf: {  	[smem:$0x3FAF] =	sst s7  }
0x10: {  	[smem:$0x3FB0] =	sst s8  }
0x11: {  	[smem:$0x3FB1] =	sst s9;
	s0 =	simm.s32 @!p0 $0x0  }
0x12: {  	s1 =	sld [smem:$0x3F97];
	s0 =	simm.s32 @p0 $0x1  }
0x13: {  	[smem:$0x3FB2] =	sst s0;
	s0 =	simm.s32 @!p1 $0x0  }
0x14: {  	s2 =	sld [smem:$0x3F96];
	s0 =	simm.s32 @p1 $0x1  }
0x15: {  	[smem:$0x3FB3] =	sst s0;
	s0 =	simm.s32 @!p2 $0x0  }
0x16: {  	s3 =	sld [smem:$0x3FDB];
	s0 =	simm.s32 @p2 $0x1  }
0x17: {  	s4 =	simm.s32 $0x1BF5;
	[smem:$0x3FB5] =	sst s0  }
0x18: {  	s0 =	sld [smem:$0x3F98];
	_ =	swait.ge [sflag:s4], $0x0  }
0x19: {  	s7 =	sld [smem:$0x3F99]  }
0x1a: {  	s8 =	sadd.s32 $0xFFFFE003, lr  }
0x1b: {  	s9 =	sadd.s32 $0xFFFFFEF7, lr;
	s5 =	simm.s32 $0xFFFFFFFF;
	p2 =	slt.u32 s8, $0xFFFFF086  }
0x1c: {  	p1 =	slt.u32 s9, $0xF7A;
	s5 =	simm.s32 @!p2 $0x0  }
0x1d: {  	s5 =	simm.s32 @p1 $0x1;
	p0 =	seq.s32 s7, s2  }
0x1e: {  	s7 =	smul.u32 @!p0 $0xF7A, s2;
	p2 =	seq.s32 @!p0 s5, $0x0  }
0x1f: {  	s9 =	smul.u32 $0xF7A, s1;
	s8 =	simm.s32 @!p0 $0x1BF5;
	p2 =	por !p2, p0  }
0x20: {  	[sflag:s8] =	ssyncset.s32 @!p0 $0xFFFFF086;
	s6 =	sadd.s32 @!p0 s3, s7;
	s7 =	simm.s32 @!p0 $0x108  }
0x21: {  	s3 =	sadd.s32 s3, s9;
	s6 =	sadd.s32 @!p0 $0x88, s6;
	s7 =	simm.s32 @p2 $0x1082  }
0x22: {  	[simem:s7], [sflag:s8] =	dma.local @!p0 [hbm:s6], $0xF7A  }
0x23: {  	s9 =	sor.u32 $0xD0000000, s2;
	s6 =	simm.s32 $0x108;
	_ =	swait.ge @!p0 [sflag:s8], $0x0  }
0x24: {  	s3 =	sadd.s32 $0x88, s3;
	s6 =	simm.s32 @!p1 $0x1082;
	[sflag:s4] =	ssyncset.s32 $0xFFFFF086  }
0x25: {  	[simem:s6], [sflag:s4] =	dma.local [hbm:s3], $0xF7A  }
0x26: {  	[smem:$0x3F99] =	sst s1;
	(tag) =	ssettag s2;
	_ =	strace s9  }
0x27: {  	s1 =	sld [smem:$0x3FA9]  }
0x28: {  	s2 =	sld [smem:$0x3FAA]  }
0x29: {  	s4 =	sld [smem:$0x3FAC]  }
0x2a: {  	p0 =	seq.s32 s5, $0x0;
	s5 =	sld [smem:$0x3FAD]  }
0x2b: {  	s6 =	sld [smem:$0x3FAE]  }
0x2c: {  	s7 =	sld [smem:$0x3FAF]  }
0x2d: {  	s3 =	simm.s32 $0x108;
	s8 =	sld [smem:$0x3FB0]  }
0x2e: {  	s3 =	simm.s32 @!p0 $0x1082;
	s9 =	sld [smem:$0x3FB1]  }
0x2f: {  	lr =	sadd.s32 s0, s3;
	s0 =	sld [smem:$0x3FA8]  }
0x30: {  	s3 =	sld [smem:$0x3FAB]  }
0x31: {  	[smem:$0x3FB4] =	sst s10  }
0x32: {  	s10 =	sld [smem:$0x3FB2];
	_ =	sdelay $0x3  }
0x33: {  	p0 =	seq.s32 s10, $0x1;
	s10 =	sld [smem:$0x3FB4];
	_ =	sdelay $0x3  }
0x34: {  	[smem:$0x3FB4] =	sst s10  }
0x35: {  	s10 =	sld [smem:$0x3FB3];
	_ =	sdelay $0x3  }
0x36: {  	p1 =	seq.s32 s10, $0x1;
	s10 =	sld [smem:$0x3FB4];
	_ =	sdelay $0x3  }
0x37: {  	[smem:$0x3FB4] =	sst s10  }
0x38: {  	s10 =	sld [smem:$0x3FB5]  }
0x39: {  	_ = 	snop;
	(pc) =	sbr.ind lr, $3  }
0x3a: {  	_ = 	snop  }
0x3b: {  	_ = 	snop  }
0x3c: {  	p2 =	seq.s32 s10, $0x1;
	s10 =	sld [smem:$0x3FB4]  }
0x3d: {  	_ =	shalt  }
0x3e: {  	_ =	shalt  }
0x3f: {  	_ =	shalt  }
0x40: {  	_ =	shalt  }
0x41: {  	_ =	shalt  }
0x42: {  	_ =	shalt  }
0x43: {  	_ =	shalt  }
0x44: {  	_ =	shalt  }
0x45: {  	_ =	shalt  }
0x46: {  	_ =	shalt  }
0x47: {  	_ =	shalt  }
0x48: {  	_ =	shalt  }
0x49: {  	_ =	shalt  }
0x4a: {  	_ =	shalt  }
0x4b: {  	_ =	shalt  }
0x4c: {  	_ =	shalt  }
0x4d: {  	_ =	shalt  }
0x4e: {  	_ =	shalt  }
0x4f: {  	_ =	shalt  }
0x50: {  	_ =	shalt  }
0x51: {  	_ =	shalt  }
0x52: {  	_ =	shalt  }
0x53: {  	_ =	shalt  }
0x54: {  	_ =	shalt  }
0x55: {  	_ =	shalt  }
0x56: {  	_ =	shalt  }
0x57: {  	_ =	shalt  }
0x58: {  	_ =	shalt  }
0x59: {  	_ =	shalt  }
0x5a: {  	_ =	shalt  }
0x5b: {  	_ =	shalt  }
0x5c: {  	_ =	shalt  }
0x5d: {  	_ =	shalt  }
0x5e: {  	_ =	shalt  }
0x5f: {  	_ =	shalt  }
0x60: {  	_ =	shalt  }
0x61: {  	_ =	shalt  }
0x62: {  	_ =	shalt  }
0x63: {  	_ =	shalt  }
0x64: {  	_ =	shalt  }
0x65: {  	_ =	shalt  }
0x66: {  	_ =	shalt  }
0x67: {  	_ =	shalt  }
0x68: {  	_ =	shalt  }
0x69: {  	_ =	shalt  }
0x6a: {  	_ =	shalt  }
0x6b: {  	_ =	shalt  }
0x6c: {  	_ =	shalt  }
0x6d: {  	_ =	shalt  }
0x6e: {  	_ =	shalt  }
0x6f: {  	_ =	shalt  }
0x70: {  	_ =	shalt  }
0x71: {  	_ =	shalt  }
0x72: {  	_ =	shalt  }
0x73: {  	_ =	shalt  }
0x74: {  	_ =	shalt  }
0x75: {  	_ =	shalt  }
0x76: {  	_ =	shalt  }
0x77: {  	_ =	shalt  }
0x78: {  	_ =	shalt  }
0x79: {  	_ =	shalt  }
0x7a: {  	_ =	shalt  }
0x7b: {  	_ =	shalt  }
0x7c: {  	_ =	shalt  }
0x7d: {  	_ =	shalt  }
0x7e: {  	_ =	shalt  }
0x7f: {  	_ =	shalt  }
0x80: {  	_ =	shalt  }
0x81: {  	_ =	shalt  }
0x82: {  	_ =	shalt  }
0x83: {  	_ =	shalt  }
0x84: {  	_ =	shalt  }
0x85: {  	_ =	shalt  }
0x86: {  	_ =	shalt  }
0x87: {  	_ =	shalt  }
.Lfunc_end0:
.L_simem_size_0:
called_computation_lowered:
.L_overlay_start_0:
0x88: {  	s2 =	sld [smem:$0x3FD9]  }
0x89: {  	s3 =	sld [smem:$0x3FFE];
	_ =	sdelay $0x1  }
0x8a: {  	s1 =	srdreg.scid  }
0x8b: {  	s0 =	sand.u32 $0x1, s1  }
0x8c: {  	s17 =	sshll.u32 s0, $0xA;
	s2 =	sadd.s32 s3, s2  }
0x8d: {  	s2 =	sadd.s32 s2, s17  }
0x8e: {  	[smem:$0x3FC0] =	sst s2  }
0x8f: {  	_ = 	snop  }
0x90: {  	s2 =	sld [smem:$0x3FC9];
	(tm) =	ssettm $0x1  }
0x91: {  	s18 =	sld [smem:$0x3FFB];
	_ =	sdelay $0x3  }
0x92: {  	_ =	strace s18  }
0x93: {  	s3 =	sld [smem:$0x3FFC];
	_ =	sdelay $0x3  }
0x94: {  	_ =	strace s3  }
0x95: {  	s3 =	sld [smem:$0x3FFD];
	_ =	sdelay $0x3  }
0x96: {  	_ =	strace s3  }
0x97: {  	_ =	strace $0x8FFFFFFF  }
0x98: {  	s19 =	sld [smem:$0x3FDB];
	_ =	sdelay $0x1  }
0x99: {  	s4 =	simm.s32 $_scs_section_size  }
0x9a: {  	s5 =	simm.s32 $_size__tile_overlayer_lowered;
	s6 =	simm.s32 $_tile_overlayer_lowered  }
0x9b: {  	s22 =	simm.s32 $0x1BFF;
	s21 =	sshll.u32 s6, $0x1;
	s3 =	sadd.s32 s4, s19  }
0x9c: {  	s7 =	simm.s32 $0x0;
	s20 =	sshll.u32 s5, $0x1;
	s5 =	sadd.s32 s21, s3  }
0x9d: {  	[timem:s7], [sflag:s22] =	dma.local [hbm:s5], s20  }
0x9e: {  	_ =	swait.ge [sflag:s22], s20  }
0x9f: {  	s4 =	ssub.s32 $0x0, s20;
	[sflag:s22] =	ssyncset.done $0x0  }
0xa0: {  	[sflag:s22] =	ssyncadd.s32 s4;
	_ =	sdelay $0x1  }
0xa1: {  	s23 =	simm.s32 $0x1B8B  }
0xa2: {  	_ =	swait.ge [sflag:s23], $0x1  }
0xa3: {  	[sflag:s23] =	ssyncset.done $0x0  }
0xa4: {  	s25 =	simm.s32 $0x1B8E;
	s24 =	sld [smem:$0x3FFE];
	[sflag:s23] =	ssyncadd.s32 $0xFFFFFFFF  }
0xa5: {  	s26 =	simm.s32 $execute0_lowered;
	[smem:$0x3FD2] =	sst s25  }
0xa6: {  	s5 =	sshll.u32 s26, $0x1;
	_ =	strace $0x80000046;
	[dreg:$0x1] =	wrdreg $0xFFFFFFFF  }
0xa7: {  	s28 =	simm.s32 $_size_execute0_lowered;
	s3 =	sadd.s32 s3, s5;
	[dreg:$0x0] =	wrdreg $0x0  }
0xa8: {  	s5 =	sshll.u32 s28, $0x1;
	[dreg:$0x2] =	wrdreg s3  }
0xa9: {  	[dreg:$0x3] =	wrdreg s5  }
0xaa: {  	[dreg:$0x4] =	wrdreg $0xC0  }
0xab: {  	_ =	task [dreg:s7], $0x5FFFF  }
0xac: {  	[dreg:$0x1] =	wrdreg $0xFFFFFFFF  }
0xad: {  	[dreg:$0x0] =	wrdreg $0x60  }
0xae: {  	[dreg:$0x2] =	wrdreg s2  }
0xaf: {  	[dreg:$0x3] =	wrdreg s24  }
0xb0: {  	[dreg:$0x4] =	wrdreg $0xB7800  }
0xb1: {  	[dreg:$0x5] =	wrdreg $0x9  }
0xb2: {  	_ =	task.clear_ibuf [dreg:s7], $0x6FFFF;
	_ =	strace $0x90000046  }
0xb3: {  	s29 =	simm.s32 $0x9;
	_ =	strace $0x80000048  }
0xb4: {  	_ =	swait.ge [sflag:s29], $0x1  }
0xb5: {  	[sflag:s29] =	ssyncadd.s32 $0xFFFFFFFF  }
0xb6: {  	_ =	strace $0x90000048  }
0xb7: {  	_ =	sfence  }
0xb8: {  	s30 =	sld [smem:$0x0];
	_ =	sdelay $0x2  }
0xb9: {  	s31 =	sshll.u32 s1, $0xD;
	s1 =	sshrl.u32 s1, $0x2  }
0xba: {  	s3 =	sand.u32 $0x4000, s31;
	s1 =	sadd.s32 s1, s30  }
0xbb: {  	s0 =	sor.u32 s3, s0;
	s1 =	sshll.u32 s1, $0x11  }
0xbc: {  	s0 =	sor.u32 s1, s0  }
0xbd: {  	s0 =	sadd.s32 $0x8F2B, s0  }
0xbe: {  	[sflag:s0] =	ssyncadd.remote.s32 $0x1  }
0xbf: {  	_ =	sfence.sel $0xFFFF  }
0xc0: {  	[dreg:$0x0] =	wrdreg $0xFFFFFFFF;
	(pc) =	sbr.abs _section_cstart, $3  }
0xc1: {  	[dreg:$0x1] =	wrdreg $0xFFFFFFFF  }
0xc2: {  	_ =	task.clear_ibuf [dreg:s7], $0x2FFFF;
	_ =	strace $0x9FFFFFFF  }
0xc3: {  	(tm) =	ssettm $0x7FFFFFFF  }
tec
execute0_lowered:
.L_overlay_start_1:
0x0: {  	(tag) =	ssettag $0x1  }
0x1: {  	s1 =	rddreg [dreg:$0x0];
	s2 =	srdreg.scid  }
0x2: {  	s0 =	stileid.u32;
	s5 =	rddreg [dreg:$0x1]  }
0x3: {  	s3 =	rddreg [dreg:$0x2];
	s4 =	simm.s32 $0x0;
	s14 =	simm.s32 $0x50  }
0x4: {  	s15 =	simm.s32 $0x6780;
	s16 =	simm.s32 $0x1;
	s17 =	simm.s32 $0x8F80  }
0x5: {  	s18 =	simm.s32 $0x2;
	s19 =	simm.s32 $0x6580;
	s20 =	simm.s32 $0x0  }
0x6: {  	s6 =	sand.u32 $0x1, s2;
	s2 =	rddreg [dreg:$0x3];
	s9 =	smul.u32 $0x13C00, s0  }
0x7: {  	s29 =	sshll.u32 s0, $0x1;
	[smem:$0x7FF] =	sst s4;
	s30 =	smul.u32 $0x4F000, s0  }
0x8: {  	s31 =	sshll.u32 s0, $0x6;
	s7 =	sor.u32 s6, s29;
	s10 =	smul.u32 $0x13C000, s6  }
0x9: {  	_ =	strace $0x80000047;
	s6 =	ssub.s32 $0x2, s6;
	s8 =	smul.u32 $0x4E2, s7  }
0xa: {  	s7 =	sshll.u32 s7, $0xB;
	s11 =	sshrl.u32 s9, $0x3;
	s12 =	sshrl.u32 s6, $0x1  }
0xb: {  	s7 =	sadd.s32 s7, s5;
	s9 =	sadd.s32 s9, s10;
	s11 =	sadd.s32 s11, s5  }
0xc: {  	s12 =	ssub.s32 s6, s12;
	s10 =	sshrl.u32 s30, $0x2;
	s8 =	sadd.s32 s8, s5  }
0xd: {  	s9 =	sshrl.u32 s9, $0x3;
	s6 =	sadd.s32 $0xBA00, s7;
	s13 =	sadd.s32 s10, s3  }
0xe: {  	s7 =	sadd.s32 $0x1BA00, s11;
	s10 =	simm.s32 $0x3;
	s11 =	simm.s32 $0x2780  }
0xf: {  	s9 =	sadd.s32 s9, s5;
	s5 =	sadd.s32 $0x1C00, s8;
	s13 =	sshrl.u32 s13, $0x3  }
0x10: {  	s8 =	sadd.s32 $0x43200, s9;
	s9 =	smax.u32 s12, $0x1;
	s12 =	sor.u32 $0x1C03, s31  }
.LBB2_1:
0x11: {  	[tilespmem:s4], [sflag:$0x3] =	stream.linear.gather [hbm4b:s5+s4], $0x2710, $0x38;
	[tilespmem:$0x1F380] =	vst v63  }
0x12: {  	_ =	swait.ge [sflag:s10], $0x2710  }
0x13: {  	[sflag:s10] =	ssyncset.done $0x0  }
0x14: {  	[sflag:s10] =	ssyncadd.s32 $0xFFFFD8F0  }
0x15: {  	[tilespmem:s11], [sflag:$0x3] =	stream.linear.gather [hbm4b:s6+s4], $0x3E80, $0x38;
	[tilespmem:$0x1F380] =	vst v63  }
0x16: {  	_ =	swait.ge [sflag:s10], $0x3E80  }
0x17: {  	[sflag:s10] =	ssyncset.done $0x0  }
0x18: {  	[sflag:s10] =	ssyncadd.s32 $0xFFFFC180  }
0x19: {  	[spmem:s13], [sflag:s12] =	dma.local [hbm:s7], $0x2780  }
0x1a: {  	_ =	swait.ge [sflag:s10], $0x2780  }
0x1b: {  	[sflag:s10] =	ssyncset.done $0x0  }
0x1c: {  	[sflag:s10] =	ssyncadd.s32 $0xFFFFD880  }
0x1d: {  	[bflag:$0x0] =	sbarrier.arrive $0xFFFF  }
0x1e: {  	[tilespmem:s15], [sflag:$0x1] =	stream.indirect.gather [hbm4b:s1+s14], $0x80, s4, s14, $0xb8;
	[tilespmem:$0x1F380] =	vst v63  }
0x1f: {  	_ =	swait.ge [sflag:s16], $0x2800  }
0x20: {  	[sflag:s16] =	ssyncset.done $0x0  }
0x21: {  	s21 =	simm.s32 $0x50;
	[sflag:s16] =	ssyncadd.s32 $0xFFFFD800  }
0x22: {  	[tilespmem:s17], [sflag:$0x2] =	stream.indirect.gather [hbm4b:s1+s14], $0x80, s21, s14, $0xb8;
	[tilespmem:$0x1F380] =	vst v63  }
0x23: {  	s31 =	simm.s32 $0x2780  }
0x24: {  	[spmem:s3] =	stream.indirect.scatter.add.f32 [tilespmem:s15], [sflag:$0x3], $0x80, s31, s14, $0xb8;
	[tilespmem:$0x1F380] =	vst v63  }
0x25: {  	_ =	swait.ge [sflag:s10], $0x2800  }
0x26: {  	[sflag:s10] =	ssyncset.done $0x0  }
0x27: {  	[sflag:s10] =	ssyncadd.s32 $0xFFFFD800  }
0x28: {  	_ =	swait.ge [sflag:s18], $0x2800  }
0x29: {  	[sflag:s18] =	ssyncset.done $0x0  }
0x2a: {  	s21 =	simm.s32 $0xA0;
	[sflag:s18] =	ssyncadd.s32 $0xFFFFD800  }
0x2b: {  	[tilespmem:s15], [sflag:$0x1] =	stream.indirect.gather [hbm4b:s1+s14], $0x80, s21, s14, $0xb8;
	[tilespmem:$0x1F380] =	vst v63  }
0x2c: {  	s22 =	simm.s32 $0x2800  }
0x2d: {  	[spmem:s3] =	stream.indirect.scatter.add.f32 [tilespmem:s17], [sflag:$0x3], $0x80, s22, s14, $0xb8;
	[tilespmem:$0x1F380] =	vst v63  }
0x2e: {  	_ =	swait.ge [sflag:s10], $0x2800  }
0x2f: {  	s22 =	simm.s32 $0x400;
	[sflag:s10] =	ssyncset.done $0x0  }
.LBB2_2:
0x30: {  	p0 =	sne.s32 s22, $0xF400;
	[sflag:s10] =	ssyncadd.s32 $0xFFFFD800;
	s21 =	sadd.s32 $0xA0, s21  }
0x31: {  	s23 =	smov.u32 s22;
	s22 =	sadd.s32 $0x400, s22  }
0x32: {  	_ =	swait.ge [sflag:s16], $0x2800  }
0x33: {  	[sflag:s16] =	ssyncset.done $0x0  }
0x34: {  	s24 =	sadd.s32 $0xFFFFFFB0, s21;
	s23 =	sshra.s32 s23, $0x2;
	[sflag:s16] =	ssyncadd.s32 $0xFFFFD800  }
0x35: {  	[tilespmem:s17], [sflag:$0x2] =	stream.indirect.gather [hbm4b:s1+s14], $0x80, s24, s14, $0xb8;
	[tilespmem:$0x1F380] =	vst v63  }
0x36: {  	s24 =	sadd.s32 $0x2780, s23  }
0x37: {  	[spmem:s3] =	stream.indirect.scatter.add.f32 [tilespmem:s15], [sflag:$0x3], $0x80, s24, s14, $0xb8;
	[tilespmem:$0x1F380] =	vst v63  }
0x38: {  	_ =	swait.ge [sflag:s10], $0x2800  }
0x39: {  	[sflag:s10] =	ssyncset.done $0x0  }
0x3a: {  	[sflag:s10] =	ssyncadd.s32 $0xFFFFD800  }
0x3b: {  	_ =	swait.ge [sflag:s18], $0x2800  }
0x3c: {  	[sflag:s18] =	ssyncset.done $0x0  }
0x3d: {  	[sflag:s18] =	ssyncadd.s32 $0xFFFFD800  }
0x3e: {  	[tilespmem:s15], [sflag:$0x1] =	stream.indirect.gather [hbm4b:s1+s14], $0x80, s21, s14, $0xb8;
	[tilespmem:$0x1F380] =	vst v63  }
.Ltmp0:
0x3f: {  	_ = 	snop;
	(pc) =	sbr.rel @p0 .LBB2_2-.Ltmp0, $4  }
0x40: {  	s23 =	sadd.s32 $0x2800, s23  }
0x41: {  	[spmem:s3] =	stream.indirect.scatter.add.f32 [tilespmem:s17], [sflag:$0x3], $0x80, s23, s14, $0xb8;
	[tilespmem:$0x1F380] =	vst v63  }
0x42: {  	_ =	swait.ge [sflag:s10], $0x2800  }
0x43: {  	[sflag:s10] =	ssyncset.done $0x0  }
0x44: {  	[sflag:s10] =	ssyncadd.s32 $0xFFFFD800  }
0x45: {  	_ =	swait.ge [sflag:s16], $0x2800  }
0x46: {  	[sflag:s16] =	ssyncset.done $0x0  }
0x47: {  	[sflag:s16] =	ssyncadd.s32 $0xFFFFD800  }
0x48: {  	[spmem:s3] =	stream.indirect.scatter.add.f32 [tilespmem:s15], [sflag:$0x3], $0x80, s19, s14, $0xb8;
	[tilespmem:$0x1F380] =	vst v63  }
0x49: {  	_ =	swait.ge [sflag:s10], $0x2800  }
0x4a: {  	s20 =	sadd.s32 $0x1, s20;
	[sflag:s10] =	ssyncset.done $0x0  }
0x4b: {  	p0 =	sne.s32 s20, s9;
	[sflag:s10] =	ssyncadd.s32 $0xFFFFD800  }
.Ltmp1:
0x4c: {  	[bflag:$0x0] =	sbarrier.arrive $0xFFFF;
	(pc) =	sbr.rel @p0 .LBB2_1-.Ltmp1, $4  }
0x4d: {  	[hbm:s8], [sflag:s12] =	dma.local [spmem:s13], $0x2780  }
0x4e: {  	_ =	swait.ge [sflag:s10], $0x2780  }
0x4f: {  	[sflag:s10] =	ssyncset.done $0x0  }
0x50: {  	[sflag:s10] =	ssyncadd.s32 $0xFFFFD880  }
0x51: {  	_ =	sfence.sel $0x180000  }
0x52: {  	[bflag:$0x0] =	sbarrier.arrive $0xFFFF  }
0x53: {  	p0 =	sne.s32 s0, $0x0;
	_ =	strace $0x90000047  }
0x54: {  	s0 =	sadd.s32 @!p0 $0x100000, s2;
	[bflag:$0x2] =	sbarrier.arrive $0xFFFF  }
0x55: {  	[sflag:s0] =	ssyncadd.tile.s32 @!p0 $0x1;
	_ =	shalt  }
.Lfunc_end2:
_tile_overlayer_lowered:
.L_overlay_start_2:
0x56: {  	(tag) =	ssettag $0x2  }
0x57: {  	s0 =	rddreg [dreg:$0x0];
	s2 =	stileid.u32  }
0x58: {  	s1 =	rddreg [dreg:$0x1];
	p0 =	sne.s32 s2, $0x0  }
0x59: {  	s3 =	rddreg [dreg:$0x2];
	[bflag:$0x3] =	sbarrier.arrive $0xFFFF;
	s2 =	simm.s32 @!p0 $0x1C03  }
0x5a: {  	[timem:s3], [sflag:s2] =	dma.local @!p0 [hbm:s0], s1  }
0x5b: {  	s0 =	simm.s32 @!p0 $0x3  }
0x5c: {  	_ =	swait.ge @!p0 [sflag:s0], s1  }
0x5d: {  	s1 =	ssub.s32 @!p0 $0x0, s1;
	[sflag:s0] =	ssyncset.done @!p0 $0x0  }
0x5e: {  	[sflag:s0] =	ssyncadd.s32 @!p0 s1  }
0x5f: {  	[bflag:$0x3] =	sbarrier.arrive $0xFFFF  }
0x60: {  	_ =	shalt  }

// kernel: kernel.9.cloned.1.call-start
scs
__scs_entry_jumppad:
0x0: {  	(pc) =	sbr.rel $0x88, $3  }
0x1: {  	(tag) =	ssettag $0x0;
	lr =	simm.s32 $0x1  }
0x2: {  	[smem:$0x3F99] =	sst lr;
	_ =	strace $0xD0000000  }
0x3: {  	_ = 	snop  }
0x4: {  	_ = 	snop  }
0x5: {  	_ = 	snop  }
0x6: {  	_ = 	snop  }
0x7: {  	_ = 	snop  }
__scs_overlays_trampoline_lowered:
0x8: {  	[smem:$0x3FA8] =	sst s0  }
0x9: {  	[smem:$0x3FA9] =	sst s1  }
0xa: {  	[smem:$0x3FAA] =	sst s2  }
0xb: {  	[smem:$0x3FAB] =	sst s3  }
0xc: {  	[smem:$0x3FAC] =	sst s4  }
0xd: {  	[smem:$0x3FAD] =	sst s5  }
0xe: {  	[smem:$0x3FAE] =	sst s6  }
0xf: {  	[smem:$0x3FAF] =	sst s7  }
0x10: {  	[smem:$0x3FB0] =	sst s8  }
0x11: {  	[smem:$0x3FB1] =	sst s9;
	s0 =	simm.s32 @!p0 $0x0  }
0x12: {  	s1 =	sld [smem:$0x3F97];
	s0 =	simm.s32 @p0 $0x1  }
0x13: {  	[smem:$0x3FB2] =	sst s0;
	s0 =	simm.s32 @!p1 $0x0  }
0x14: {  	s2 =	sld [smem:$0x3F96];
	s0 =	simm.s32 @p1 $0x1  }
0x15: {  	[smem:$0x3FB3] =	sst s0;
	s0 =	simm.s32 @!p2 $0x0  }
0x16: {  	s3 =	sld [smem:$0x3FDB];
	s0 =	simm.s32 @p2 $0x1  }
0x17: {  	s4 =	simm.s32 $0x1BF5;
	[smem:$0x3FB5] =	sst s0  }
0x18: {  	s0 =	sld [smem:$0x3F98];
	_ =	swait.ge [sflag:s4], $0x0  }
0x19: {  	s7 =	sld [smem:$0x3F99]  }
0x1a: {  	s8 =	sadd.s32 $0xFFFFE003, lr  }
0x1b: {  	s9 =	sadd.s32 $0xFFFFFEF7, lr;
	s5 =	simm.s32 $0xFFFFFFFF;
	p2 =	slt.u32 s8, $0xFFFFF086  }
0x1c: {  	p1 =	slt.u32 s9, $0xF7A;
	s5 =	simm.s32 @!p2 $0x0  }
0x1d: {  	s5 =	simm.s32 @p1 $0x1;
	p0 =	seq.s32 s7, s2  }
0x1e: {  	s7 =	smul.u32 @!p0 $0xF7A, s2;
	p2 =	seq.s32 @!p0 s5, $0x0  }
0x1f: {  	s9 =	smul.u32 $0xF7A, s1;
	s8 =	simm.s32 @!p0 $0x1BF5;
	p2 =	por !p2, p0  }
0x20: {  	[sflag:s8] =	ssyncset.s32 @!p0 $0xFFFFF086;
	s6 =	sadd.s32 @!p0 s3, s7;
	s7 =	simm.s32 @!p0 $0x108  }
0x21: {  	s3 =	sadd.s32 s3, s9;
	s6 =	sadd.s32 @!p0 $0x88, s6;
	s7 =	simm.s32 @p2 $0x1082  }
0x22: {  	[simem:s7], [sflag:s8] =	dma.local @!p0 [hbm:s6], $0xF7A  }
0x23: {  	s9 =	sor.u32 $0xD0000000, s2;
	s6 =	simm.s32 $0x108;
	_ =	swait.ge @!p0 [sflag:s8], $0x0  }
0x24: {  	s3 =	sadd.s32 $0x88, s3;
	s6 =	simm.s32 @!p1 $0x1082;
	[sflag:s4] =	ssyncset.s32 $0xFFFFF086  }
0x25: {  	[simem:s6], [sflag:s4] =	dma.local [hbm:s3], $0xF7A  }
0x26: {  	[smem:$0x3F99] =	sst s1;
	(tag) =	ssettag s2;
	_ =	strace s9  }
0x27: {  	s1 =	sld [smem:$0x3FA9]  }
0x28: {  	s2 =	sld [smem:$0x3FAA]  }
0x29: {  	s4 =	sld [smem:$0x3FAC]  }
0x2a: {  	p0 =	seq.s32 s5, $0x0;
	s5 =	sld [smem:$0x3FAD]  }
0x2b: {  	s6 =	sld [smem:$0x3FAE]  }
0x2c: {  	s7 =	sld [smem:$0x3FAF]  }
0x2d: {  	s3 =	simm.s32 $0x108;
	s8 =	sld [smem:$0x3FB0]  }
0x2e: {  	s3 =	simm.s32 @!p0 $0x1082;
	s9 =	sld [smem:$0x3FB1]  }
0x2f: {  	lr =	sadd.s32 s0, s3;
	s0 =	sld [smem:$0x3FA8]  }
0x30: {  	s3 =	sld [smem:$0x3FAB]  }
0x31: {  	[smem:$0x3FB4] =	sst s10  }
0x32: {  	s10 =	sld [smem:$0x3FB2];
	_ =	sdelay $0x3  }
0x33: {  	p0 =	seq.s32 s10, $0x1;
	s10 =	sld [smem:$0x3FB4];
	_ =	sdelay $0x3  }
0x34: {  	[smem:$0x3FB4] =	sst s10  }
0x35: {  	s10 =	sld [smem:$0x3FB3];
	_ =	sdelay $0x3  }
0x36: {  	p1 =	seq.s32 s10, $0x1;
	s10 =	sld [smem:$0x3FB4];
	_ =	sdelay $0x3  }
0x37: {  	[smem:$0x3FB4] =	sst s10  }
0x38: {  	s10 =	sld [smem:$0x3FB5]  }
0x39: {  	_ = 	snop;
	(pc) =	sbr.ind lr, $3  }
0x3a: {  	_ = 	snop  }
0x3b: {  	_ = 	snop  }
0x3c: {  	p2 =	seq.s32 s10, $0x1;
	s10 =	sld [smem:$0x3FB4]  }
0x3d: {  	_ =	shalt  }
0x3e: {  	_ =	shalt  }
0x3f: {  	_ =	shalt  }
0x40: {  	_ =	shalt  }
0x41: {  	_ =	shalt  }
0x42: {  	_ =	shalt  }
0x43: {  	_ =	shalt  }
0x44: {  	_ =	shalt  }
0x45: {  	_ =	shalt  }
0x46: {  	_ =	shalt  }
0x47: {  	_ =	shalt  }
0x48: {  	_ =	shalt  }
0x49: {  	_ =	shalt  }
0x4a: {  	_ =	shalt  }
0x4b: {  	_ =	shalt  }
0x4c: {  	_ =	shalt  }
0x4d: {  	_ =	shalt  }
0x4e: {  	_ =	shalt  }
0x4f: {  	_ =	shalt  }
0x50: {  	_ =	shalt  }
0x51: {  	_ =	shalt  }
0x52: {  	_ =	shalt  }
0x53: {  	_ =	shalt  }
0x54: {  	_ =	shalt  }
0x55: {  	_ =	shalt  }
0x56: {  	_ =	shalt  }
0x57: {  	_ =	shalt  }
0x58: {  	_ =	shalt  }
0x59: {  	_ =	shalt  }
0x5a: {  	_ =	shalt  }
0x5b: {  	_ =	shalt  }
0x5c: {  	_ =	shalt  }
0x5d: {  	_ =	shalt  }
0x5e: {  	_ =	shalt  }
0x5f: {  	_ =	shalt  }
0x60: {  	_ =	shalt  }
0x61: {  	_ =	shalt  }
0x62: {  	_ =	shalt  }
0x63: {  	_ =	shalt  }
0x64: {  	_ =	shalt  }
0x65: {  	_ =	shalt  }
0x66: {  	_ =	shalt  }
0x67: {  	_ =	shalt  }
0x68: {  	_ =	shalt  }
0x69: {  	_ =	shalt  }
0x6a: {  	_ =	shalt  }
0x6b: {  	_ =	shalt  }
0x6c: {  	_ =	shalt  }
0x6d: {  	_ =	shalt  }
0x6e: {  	_ =	shalt  }
0x6f: {  	_ =	shalt  }
0x70: {  	_ =	shalt  }
0x71: {  	_ =	shalt  }
0x72: {  	_ =	shalt  }
0x73: {  	_ =	shalt  }
0x74: {  	_ =	shalt  }
0x75: {  	_ =	shalt  }
0x76: {  	_ =	shalt  }
0x77: {  	_ =	shalt  }
0x78: {  	_ =	shalt  }
0x79: {  	_ =	shalt  }
0x7a: {  	_ =	shalt  }
0x7b: {  	_ =	shalt  }
0x7c: {  	_ =	shalt  }
0x7d: {  	_ =	shalt  }
0x7e: {  	_ =	shalt  }
0x7f: {  	_ =	shalt  }
0x80: {  	_ =	shalt  }
0x81: {  	_ =	shalt  }
0x82: {  	_ =	shalt  }
0x83: {  	_ =	shalt  }
0x84: {  	_ =	shalt  }
0x85: {  	_ =	shalt  }
0x86: {  	_ =	shalt  }
0x87: {  	_ =	shalt  }
.Lfunc_end0:
.L_simem_size_0:
called_computation.1_lowered:
.L_overlay_start_0:
0x88: {  	s2 =	sld [smem:$0x3FD9]  }
0x89: {  	s3 =	sld [smem:$0x3FFE];
	_ =	sdelay $0x1  }
0x8a: {  	s1 =	srdreg.scid  }
0x8b: {  	s0 =	sand.u32 $0x1, s1  }
0x8c: {  	s17 =	sshll.u32 s0, $0xA;
	s2 =	sadd.s32 s3, s2  }
0x8d: {  	s2 =	sadd.s32 s2, s17  }
0x8e: {  	[smem:$0x3FC0] =	sst s2  }
0x8f: {  	_ = 	snop  }
0x90: {  	s2 =	sld [smem:$0x3FD0];
	(tm) =	ssettm $0x1  }
0x91: {  	s18 =	sld [smem:$0x3FFB];
	_ =	sdelay $0x3  }
0x92: {  	_ =	strace s18  }
0x93: {  	s3 =	sld [smem:$0x3FFC];
	_ =	sdelay $0x3  }
0x94: {  	_ =	strace s3  }
0x95: {  	s3 =	sld [smem:$0x3FFD];
	_ =	sdelay $0x3  }
0x96: {  	_ =	strace s3  }
0x97: {  	_ =	strace $0x8FFFFFFF  }
0x98: {  	s19 =	sld [smem:$0x3FDB];
	_ =	sdelay $0x1  }
0x99: {  	s4 =	simm.s32 $_scs_section_size  }
0x9a: {  	s5 =	simm.s32 $_size__tile_overlayer_lowered;
	s6 =	simm.s32 $_tile_overlayer_lowered  }
0x9b: {  	s22 =	simm.s32 $0x1BFF;
	s21 =	sshll.u32 s6, $0x1;
	s3 =	sadd.s32 s4, s19  }
0x9c: {  	s7 =	simm.s32 $0x0;
	s20 =	sshll.u32 s5, $0x1;
	s5 =	sadd.s32 s21, s3  }
0x9d: {  	[timem:s7], [sflag:s22] =	dma.local [hbm:s5], s20  }
0x9e: {  	_ =	swait.ge [sflag:s22], s20  }
0x9f: {  	s4 =	ssub.s32 $0x0, s20;
	[sflag:s22] =	ssyncset.done $0x0  }
0xa0: {  	[sflag:s22] =	ssyncadd.s32 s4;
	_ =	sdelay $0x1  }
0xa1: {  	s23 =	simm.s32 $0x1B8B  }
0xa2: {  	_ =	swait.ge [sflag:s23], $0x1  }
0xa3: {  	[sflag:s23] =	ssyncset.done $0x0  }
0xa4: {  	s25 =	simm.s32 $0x1B8E;
	s24 =	sld [smem:$0x3FFE];
	[sflag:s23] =	ssyncadd.s32 $0xFFFFFFFF  }
0xa5: {  	s26 =	simm.s32 $execute0_lowered;
	[smem:$0x3FD2] =	sst s25  }
0xa6: {  	s5 =	sshll.u32 s26, $0x1;
	_ =	strace $0x80000049;
	[dreg:$0x1] =	wrdreg $0xFFFFFFFF  }
0xa7: {  	s28 =	simm.s32 $_size_execute0_lowered;
	s3 =	sadd.s32 s3, s5;
	[dreg:$0x0] =	wrdreg $0x0  }
0xa8: {  	s5 =	sshll.u32 s28, $0x1;
	[dreg:$0x2] =	wrdreg s3  }
0xa9: {  	[dreg:$0x3] =	wrdreg s5  }
0xaa: {  	[dreg:$0x4] =	wrdreg $0xC0  }
0xab: {  	_ =	task [dreg:s7], $0x5FFFF  }
0xac: {  	[dreg:$0x1] =	wrdreg $0xFFFFFFFF  }
0xad: {  	[dreg:$0x0] =	wrdreg $0x60  }
0xae: {  	[dreg:$0x2] =	wrdreg s2  }
0xaf: {  	[dreg:$0x3] =	wrdreg s24  }
0xb0: {  	[dreg:$0x4] =	wrdreg $0xB7800  }
0xb1: {  	[dreg:$0x5] =	wrdreg $0x9  }
0xb2: {  	_ =	task.clear_ibuf [dreg:s7], $0x6FFFF;
	_ =	strace $0x90000049  }
0xb3: {  	s29 =	simm.s32 $0x9;
	_ =	strace $0x8000004B  }
0xb4: {  	_ =	swait.ge [sflag:s29], $0x1  }
0xb5: {  	[sflag:s29] =	ssyncadd.s32 $0xFFFFFFFF  }
0xb6: {  	_ =	strace $0x9000004B  }
0xb7: {  	_ =	sfence  }
0xb8: {  	s30 =	sld [smem:$0x0];
	_ =	sdelay $0x2  }
0xb9: {  	s31 =	sshll.u32 s1, $0xD;
	s1 =	sshrl.u32 s1, $0x2  }
0xba: {  	s3 =	sand.u32 $0x4000, s31;
	s1 =	sadd.s32 s1, s30  }
0xbb: {  	s0 =	sor.u32 s3, s0;
	s1 =	sshll.u32 s1, $0x11  }
0xbc: {  	s0 =	sor.u32 s1, s0  }
0xbd: {  	s0 =	sadd.s32 $0x8F2B, s0  }
0xbe: {  	[sflag:s0] =	ssyncadd.remote.s32 $0x1  }
0xbf: {  	_ =	sfence.sel $0xFFFF  }
0xc0: {  	[dreg:$0x0] =	wrdreg $0xFFFFFFFF;
	(pc) =	sbr.abs _section_cstart, $3  }
0xc1: {  	[dreg:$0x1] =	wrdreg $0xFFFFFFFF  }
0xc2: {  	_ =	task.clear_ibuf [dreg:s7], $0x2FFFF;
	_ =	strace $0x9FFFFFFF  }
0xc3: {  	(tm) =	ssettm $0x7FFFFFFF  }
tec
execute0_lowered:
.L_overlay_start_1:
0x0: {  	(tag) =	ssettag $0x1  }
0x1: {  	s1 =	rddreg [dreg:$0x0];
	s2 =	srdreg.scid  }
0x2: {  	s0 =	stileid.u32;
	s5 =	rddreg [dreg:$0x1]  }
0x3: {  	s3 =	rddreg [dreg:$0x2];
	s4 =	simm.s32 $0x0;
	s14 =	simm.s32 $0x50  }
0x4: {  	s15 =	simm.s32 $0x6780;
	s16 =	simm.s32 $0x1;
	s17 =	simm.s32 $0x8F80  }
0x5: {  	s18 =	simm.s32 $0x2;
	s19 =	simm.s32 $0x6580;
	s20 =	simm.s32 $0x0  }
0x6: {  	s6 =	sand.u32 $0x1, s2;
	s2 =	rddreg [dreg:$0x3];
	s9 =	smul.u32 $0x13C00, s0  }
0x7: {  	s29 =	sshll.u32 s0, $0x1;
	[smem:$0x7FF] =	sst s4;
	s30 =	smul.u32 $0x4F000, s0  }
0x8: {  	s31 =	sshll.u32 s0, $0x6;
	s7 =	sor.u32 s6, s29;
	s10 =	smul.u32 $0x13C000, s6  }
0x9: {  	_ =	strace $0x8000004A;
	s6 =	ssub.s32 $0x2, s6;
	s8 =	smul.u32 $0x4E2, s7  }
0xa: {  	s7 =	sshll.u32 s7, $0xB;
	s11 =	sshrl.u32 s9, $0x3;
	s12 =	sshrl.u32 s6, $0x1  }
0xb: {  	s7 =	sadd.s32 s7, s5;
	s9 =	sadd.s32 s9, s10;
	s11 =	sadd.s32 s11, s5  }
0xc: {  	s12 =	ssub.s32 s6, s12;
	s10 =	sshrl.u32 s30, $0x2;
	s8 =	sadd.s32 s8, s5  }
0xd: {  	s9 =	sshrl.u32 s9, $0x3;
	s6 =	sadd.s32 $0xBA00, s7;
	s13 =	sadd.s32 s10, s3  }
0xe: {  	s7 =	sadd.s32 $0x1BA00, s11;
	s10 =	simm.s32 $0x3;
	s11 =	simm.s32 $0x2780  }
0xf: {  	s9 =	sadd.s32 s9, s5;
	s5 =	sadd.s32 $0x1C00, s8;
	s13 =	sshrl.u32 s13, $0x3  }
0x10: {  	s8 =	sadd.s32 $0x43200, s9;
	s9 =	smax.u32 s12, $0x1;
	s12 =	sor.u32 $0x1C03, s31  }
.LBB2_1:
0x11: {  	[tilespmem:s4], [sflag:$0x3] =	stream.linear.gather [hbm4b:s5+s4], $0x2710, $0x38;
	[tilespmem:$0x1F380] =	vst v63  }
0x12: {  	_ =	swait.ge [sflag:s10], $0x2710  }
0x13: {  	[sflag:s10] =	ssyncset.done $0x0  }
0x14: {  	[sflag:s10] =	ssyncadd.s32 $0xFFFFD8F0  }
0x15: {  	[tilespmem:s11], [sflag:$0x3] =	stream.linear.gather [hbm4b:s6+s4], $0x3E80, $0x38;
	[tilespmem:$0x1F380] =	vst v63  }
0x16: {  	_ =	swait.ge [sflag:s10], $0x3E80  }
0x17: {  	[sflag:s10] =	ssyncset.done $0x0  }
0x18: {  	[sflag:s10] =	ssyncadd.s32 $0xFFFFC180  }
0x19: {  	[spmem:s13], [sflag:s12] =	dma.local [hbm:s7], $0x2780  }
0x1a: {  	_ =	swait.ge [sflag:s10], $0x2780  }
0x1b: {  	[sflag:s10] =	ssyncset.done $0x0  }
0x1c: {  	[sflag:s10] =	ssyncadd.s32 $0xFFFFD880  }
0x1d: {  	[bflag:$0x0] =	sbarrier.arrive $0xFFFF  }
0x1e: {  	[tilespmem:s15], [sflag:$0x1] =	stream.indirect.gather [hbm4b:s1+s14], $0x80, s4, s14, $0xb8;
	[tilespmem:$0x1F380] =	vst v63  }
0x1f: {  	_ =	swait.ge [sflag:s16], $0x2800  }
0x20: {  	[sflag:s16] =	ssyncset.done $0x0  }
0x21: {  	s21 =	simm.s32 $0x50;
	[sflag:s16] =	ssyncadd.s32 $0xFFFFD800  }
0x22: {  	[tilespmem:s17], [sflag:$0x2] =	stream.indirect.gather [hbm4b:s1+s14], $0x80, s21, s14, $0xb8;
	[tilespmem:$0x1F380] =	vst v63  }
0x23: {  	s31 =	simm.s32 $0x2780  }
0x24: {  	[spmem:s3] =	stream.indirect.scatter.add.f32 [tilespmem:s15], [sflag:$0x3], $0x80, s31, s14, $0xb8;
	[tilespmem:$0x1F380] =	vst v63  }
0x25: {  	_ =	swait.ge [sflag:s10], $0x2800  }
0x26: {  	[sflag:s10] =	ssyncset.done $0x0  }
0x27: {  	[sflag:s10] =	ssyncadd.s32 $0xFFFFD800  }
0x28: {  	_ =	swait.ge [sflag:s18], $0x2800  }
0x29: {  	[sflag:s18] =	ssyncset.done $0x0  }
0x2a: {  	s21 =	simm.s32 $0xA0;
	[sflag:s18] =	ssyncadd.s32 $0xFFFFD800  }
0x2b: {  	[tilespmem:s15], [sflag:$0x1] =	stream.indirect.gather [hbm4b:s1+s14], $0x80, s21, s14, $0xb8;
	[tilespmem:$0x1F380] =	vst v63  }
0x2c: {  	s22 =	simm.s32 $0x2800  }
0x2d: {  	[spmem:s3] =	stream.indirect.scatter.add.f32 [tilespmem:s17], [sflag:$0x3], $0x80, s22, s14, $0xb8;
	[tilespmem:$0x1F380] =	vst v63  }
0x2e: {  	_ =	swait.ge [sflag:s10], $0x2800  }
0x2f: {  	s22 =	simm.s32 $0x400;
	[sflag:s10] =	ssyncset.done $0x0  }
.LBB2_2:
0x30: {  	p0 =	sne.s32 s22, $0xF400;
	[sflag:s10] =	ssyncadd.s32 $0xFFFFD800;
	s21 =	sadd.s32 $0xA0, s21  }
0x31: {  	s23 =	smov.u32 s22;
	s22 =	sadd.s32 $0x400, s22  }
0x32: {  	_ =	swait.ge [sflag:s16], $0x2800  }
0x33: {  	[sflag:s16] =	ssyncset.done $0x0  }
0x34: {  	s24 =	sadd.s32 $0xFFFFFFB0, s21;
	s23 =	sshra.s32 s23, $0x2;
	[sflag:s16] =	ssyncadd.s32 $0xFFFFD800  }
0x35: {  	[tilespmem:s17], [sflag:$0x2] =	stream.indirect.gather [hbm4b:s1+s14], $0x80, s24, s14, $0xb8;
	[tilespmem:$0x1F380] =	vst v63  }
0x36: {  	s24 =	sadd.s32 $0x2780, s23  }
0x37: {  	[spmem:s3] =	stream.indirect.scatter.add.f32 [tilespmem:s15], [sflag:$0x3], $0x80, s24, s14, $0xb8;
	[tilespmem:$0x1F380] =	vst v63  }
0x38: {  	_ =	swait.ge [sflag:s10], $0x2800  }
0x39: {  	[sflag:s10] =	ssyncset.done $0x0  }
0x3a: {  	[sflag:s10] =	ssyncadd.s32 $0xFFFFD800  }
0x3b: {  	_ =	swait.ge [sflag:s18], $0x2800  }
0x3c: {  	[sflag:s18] =	ssyncset.done $0x0  }
0x3d: {  	[sflag:s18] =	ssyncadd.s32 $0xFFFFD800  }
0x3e: {  	[tilespmem:s15], [sflag:$0x1] =	stream.indirect.gather [hbm4b:s1+s14], $0x80, s21, s14, $0xb8;
	[tilespmem:$0x1F380] =	vst v63  }
.Ltmp0:
0x3f: {  	_ = 	snop;
	(pc) =	sbr.rel @p0 .LBB2_2-.Ltmp0, $4  }
0x40: {  	s23 =	sadd.s32 $0x2800, s23  }
0x41: {  	[spmem:s3] =	stream.indirect.scatter.add.f32 [tilespmem:s17], [sflag:$0x3], $0x80, s23, s14, $0xb8;
	[tilespmem:$0x1F380] =	vst v63  }
0x42: {  	_ =	swait.ge [sflag:s10], $0x2800  }
0x43: {  	[sflag:s10] =	ssyncset.done $0x0  }
0x44: {  	[sflag:s10] =	ssyncadd.s32 $0xFFFFD800  }
0x45: {  	_ =	swait.ge [sflag:s16], $0x2800  }
0x46: {  	[sflag:s16] =	ssyncset.done $0x0  }
0x47: {  	[sflag:s16] =	ssyncadd.s32 $0xFFFFD800  }
0x48: {  	[spmem:s3] =	stream.indirect.scatter.add.f32 [tilespmem:s15], [sflag:$0x3], $0x80, s19, s14, $0xb8;
	[tilespmem:$0x1F380] =	vst v63  }
0x49: {  	_ =	swait.ge [sflag:s10], $0x2800  }
0x4a: {  	s20 =	sadd.s32 $0x1, s20;
	[sflag:s10] =	ssyncset.done $0x0  }
0x4b: {  	p0 =	sne.s32 s20, s9;
	[sflag:s10] =	ssyncadd.s32 $0xFFFFD800  }
.Ltmp1:
0x4c: {  	[bflag:$0x0] =	sbarrier.arrive $0xFFFF;
	(pc) =	sbr.rel @p0 .LBB2_1-.Ltmp1, $4  }
0x4d: {  	[hbm:s8], [sflag:s12] =	dma.local [spmem:s13], $0x2780  }
0x4e: {  	_ =	swait.ge [sflag:s10], $0x2780  }
0x4f: {  	[sflag:s10] =	ssyncset.done $0x0  }
0x50: {  	[sflag:s10] =	ssyncadd.s32 $0xFFFFD880  }
0x51: {  	_ =	sfence.sel $0x180000  }
0x52: {  	[bflag:$0x0] =	sbarrier.arrive $0xFFFF  }
0x53: {  	p0 =	sne.s32 s0, $0x0;
	_ =	strace $0x9000004A  }
0x54: {  	s0 =	sadd.s32 @!p0 $0x100000, s2;
	[bflag:$0x2] =	sbarrier.arrive $0xFFFF  }
0x55: {  	[sflag:s0] =	ssyncadd.tile.s32 @!p0 $0x1;
	_ =	shalt  }
.Lfunc_end2:
_tile_overlayer_lowered:
.L_overlay_start_2:
0x56: {  	(tag) =	ssettag $0x2  }
0x57: {  	s0 =	rddreg [dreg:$0x0];
	s2 =	stileid.u32  }
0x58: {  	s1 =	rddreg [dreg:$0x1];
	p0 =	sne.s32 s2, $0x0  }
0x59: {  	s3 =	rddreg [dreg:$0x2];
	[bflag:$0x3] =	sbarrier.arrive $0xFFFF;
	s2 =	simm.s32 @!p0 $0x1C03  }
0x5a: {  	[timem:s3], [sflag:s2] =	dma.local @!p0 [hbm:s0], s1  }
0x5b: {  	s0 =	simm.s32 @!p0 $0x3  }
0x5c: {  	_ =	swait.ge @!p0 [sflag:s0], s1  }
0x5d: {  	s1 =	ssub.s32 @!p0 $0x0, s1;
	[sflag:s0] =	ssyncset.done @!p0 $0x0  }
0x5e: {  	[sflag:s0] =	ssyncadd.s32 @!p0 s1  }
0x5f: {  	[bflag:$0x3] =	sbarrier.arrive $0xFFFF  }
0x60: {  	_ =	shalt  }

</sc_bundles>
